<compile_context>
chip_gen: v7x
topology: tpu7x:2x2x1
jax: 0.10.2.dev20260603
libtpu: 0.0.44.dev20260713+nightly
codegen_flags: <defaults>
</compile_context>

<pallas_src>
import jax
import jax.numpy as jnp
from jax import lax
from jax.experimental import pallas as pl
from jax.experimental.pallas import tpu as pltpu
from jax.experimental.pallas import tpu_sc as plsc

N_TOTAL = 1000000
RHO = 0.99
ALPHA = 0.5
S_INIT = 2.0
TEMP = 0.5
B = 16384
D = 128

BLK = 4096
G = B // BLK
NC, NS, L = 2, 16, 16
NW = NC * NS
LCH = N_TOTAL // NW
WS = LCH + 6
BP = B // NW
TWO_T2 = 2.0 * TEMP ** 2.0
NPOW2 = 999999995904.0
assert N_TOTAL % NW == 0 and WS % 8 == 0 and B % (L * NW) == 0


def _tc_body(a_ref, b_ref, bnd_a_ref, bnd_b_ref, u_ref, qr_ref, att_ref):
    ones_p = jnp.ones((1, D), jnp.float32)

    def rsp(x):
        return lax.dot_general(ones_p, x, (((1,), (1,)), ((), ())),
                               preferred_element_type=jnp.float32,
                               precision=lax.Precision.DEFAULT)

    a = a_ref[...]
    b = b_ref[...]
    last = lax.broadcasted_iota(jnp.int32, (BLK, D), 0) == (BLK - 1)
    a_neg = jnp.where(last, bnd_a_ref[0:1], pltpu.roll(a, BLK - 1, 0))
    b_neg = jnp.where(last, bnd_b_ref[0:1], pltpu.roll(b, BLK - 1, 0))

    na2, nb2 = rsp(a * a), rsp(b * b)
    nan2, nbn2 = rsp(a_neg * a_neg), rsp(b_neg * b_neg)
    sa, sb = rsp(a), rsp(b)
    san, sbn = rsp(a_neg), rsp(b_neg)
    tab, tabn, tban = rsp(a * b), rsp(a * b_neg), rsp(b * a_neg)

    eps = 1e-6
    deps2 = D * eps * eps

    def cn(n2):
        return jnp.maximum(jnp.sqrt(n2), 1e-12)

    ia, ib = 1.0 / cn(na2), 1.0 / cn(nb2)
    ian, ibn = 1.0 / cn(nan2), 1.0 / cn(nbn2)
    q1a, q1b = na2 * ia * ia, nb2 * ib * ib
    q1an, q1bn = nan2 * ian * ian, nbn2 * ibn * ibn
    ea, eb = eps * (sa * ia), eps * (sb * ib)
    ean, ebn = eps * (san * ian), eps * (sbn * ibn)

    d2_attr_a = q1a + q1b + deps2 - 2.0 * (tab * ia * ib) + 2.0 * (ea - eb)
    d2_attr_b = q1a + q1b + deps2 - 2.0 * (tab * ia * ib) + 2.0 * (eb - ea)
    d2_rep_a = q1a + q1bn + deps2 - 2.0 * (tabn * ia * ibn) + 2.0 * (ea - ebn)
    d2_rep_b = q1b + q1an + deps2 - 2.0 * (tban * ib * ian) + 2.0 * (eb - ean)

    qa = jnp.exp(-d2_attr_a / TWO_T2)
    qb = jnp.exp(-d2_attr_b / TWO_T2)
    qra = jnp.exp(-d2_rep_a / TWO_T2)
    qrb = jnp.exp(-d2_rep_b / TWO_T2)
    u_ref[...] = (((1.0 - RHO) * NPOW2 * 0.25)
                  * (qa + qb + qra + qrb)).reshape(BLK)
    qr_ref[...] = (qra + qrb).reshape(BLK)
    att_ref[...] = ((d2_attr_a + d2_attr_b) / TWO_T2).reshape(BLK)


def _tc_call(feats_a, feats_b):
    nxt = lambda j: (((j + 1) % G) * (BLK // 8), 0)
    return pl.pallas_call(
        _tc_body,
        grid=(G,),
        in_specs=[
            pl.BlockSpec((BLK, D), lambda j: (j, 0)),
            pl.BlockSpec((BLK, D), lambda j: (j, 0)),
            pl.BlockSpec((8, D), nxt),
            pl.BlockSpec((8, D), nxt),
        ],
        out_specs=[
            pl.BlockSpec((BLK,), lambda j: (j,)),
            pl.BlockSpec((BLK,), lambda j: (j,)),
            pl.BlockSpec((BLK,), lambda j: (j,)),
        ],
        out_shape=[
            jax.ShapeDtypeStruct((B,), jnp.float32),
            jax.ShapeDtypeStruct((B,), jnp.float32),
            jax.ShapeDtypeStruct((B,), jnp.float32),
        ],
    )(feats_a, feats_b, feats_a, feats_b)


def _sc_kernel_body(idx_hbm, u_hbm, qr_hbm, att_hbm, sinv_hbm,
                    out_hbm, part_hbm,
                    idx_v, u_v, lc_v, idxs_v, sold_v, qr_v, att_v, tbl_v,
                    acc_v, sem, sem2, semt, semc):
    wid = lax.axis_index("s") * NC + lax.axis_index("c")
    lstart = wid * LCH
    wstart = pl.multiple_of(lstart - lax.rem(lstart, 8), 8)
    bbase = wid * BP

    nchk = 4
    cb = B // nchk
    tbl_h = pltpu.async_copy(sinv_hbm.at[pl.ds(wstart, WS)],
                             tbl_v.at[pl.ds(0, WS)], semt)
    chunk_h = []
    for k in range(nchk):
        s = pl.ds(k * cb, cb)
        chunk_h.append((
            pltpu.async_copy(idx_hbm.at[s], idx_v.at[s], semc.at[k]),
            pltpu.async_copy(u_hbm.at[s], u_v.at[s], semc.at[k])))
    slice_h = [
        pltpu.async_copy(idx_hbm.at[pl.ds(bbase, BP)], idxs_v, sem),
        pltpu.async_copy(qr_hbm.at[pl.ds(bbase, BP)], qr_v, sem),
        pltpu.async_copy(att_hbm.at[pl.ds(bbase, BP)], att_v, sem),
    ]
    tbl_h.wait()
    for c in slice_h:
        c.wait()
    rep_h = pltpu.async_copy(sinv_hbm.at[idxs_v], sold_v, sem2)

    npow2 = jnp.float32(NPOW2)
    rho = jnp.float32(RHO)
    zeros = jnp.zeros((L,), jnp.float32)

    for k in range(nchk):
        for c in chunk_h[k]:
            c.wait()

        @plsc.parallel_loop(k * (cb // L), (k + 1) * (cb // L), unroll=8)
        def _pass_a(t):
            sl = pl.ds(t * L, L)
            local = idx_v[sl] - wstart
            m = (local >= 0) & (local < WS)
            lc = jnp.where(m, local, WS)
            s_old = plsc.load_gather(tbl_v, [lc])
            u_v[sl] = rho * s_old + u_v[sl]
            lc_v[sl] = lc

    def p_b(t, carry):
        base = t * (L * 8)
        for k in range(8):
            sl = pl.ds(base + k * L, L)
            plsc.store_scatter(tbl_v, [lc_v[sl]], u_v[sl])
        return carry

    lax.fori_loop(0, B // (L * 8), p_b, 0)

    wb_h = pltpu.async_copy(tbl_v.at[pl.ds(0, WS)],
                            out_hbm.at[pl.ds(wstart, WS)], sem)

    rep_h.wait()

    def p_loss(t, acc):
        sl = pl.ds(t * L, L)
        rep = qr_v[sl] / (sold_v[sl] / npow2)
        return acc + rep + att_v[sl]

    acc = lax.fori_loop(0, BP // L, p_loss, zeros)
    acc_v[...] = acc
    pltpu.sync_copy(acc_v, part_hbm.at[wid])
    wb_h.wait()


def _sc_call(feats_idx, u, qr, att, s_inv):
    mesh = plsc.VectorSubcoreMesh(
        core_axis_name="c", subcore_axis_name="s",
        num_cores=NC, num_subcores=NS)
    fn = pl.kernel(
        _sc_kernel_body,
        compiler_params=pltpu.CompilerParams(needs_layout_passes=False),
        out_type=[
            jax.ShapeDtypeStruct((N_TOTAL,), jnp.float32),
            jax.ShapeDtypeStruct((NW, L), jnp.float32),
        ],
        mesh=mesh,
        scratch_types=[
            pltpu.VMEM((B,), jnp.int32),
            pltpu.VMEM((B,), jnp.float32),
            pltpu.VMEM((B,), jnp.int32),
            pltpu.VMEM((BP,), jnp.int32),
            pltpu.VMEM((BP,), jnp.float32),
            pltpu.VMEM((BP,), jnp.float32),
            pltpu.VMEM((BP,), jnp.float32),
            pltpu.VMEM((WS + 8,), jnp.float32),
            pltpu.VMEM((L,), jnp.float32),
            pltpu.SemaphoreType.DMA,
            pltpu.SemaphoreType.DMA,
            pltpu.SemaphoreType.DMA,
            pltpu.SemaphoreType.DMA((4,)),
        ],
    )
    return fn(feats_idx, u, qr, att, s_inv)


def kernel(feats_a, feats_b, feats_idx, s_inv):
    u, qr, att = _tc_call(feats_a, feats_b)
    new_s_inv, parts = _sc_call(feats_idx, u, qr, att, s_inv)
    loss = 0.5 * jnp.sum(parts) / B
    return loss, new_s_inv

# --- scband reference (transcript-rebuilt; emitter-appended) ---
"""Pipeline reference for scband-saclr1-90452011254157 (READ-ONLY COPY).

The authoritative reference and input builder live on the scoring server;
editing this copy changes nothing except your own understanding.
"""

import jax, jax.numpy as jnp
import numpy as np

N_TOTAL = 1000000
RHO = 0.99
ALPHA = 0.5
S_INIT = 2.0
TEMP = 0.5
B = 16384
D = 128


def _normalize(x):
    # F.normalize(p=2, dim=1): x / max(||x||, 1e-12)
    n = jnp.sqrt(jnp.sum(x * x, axis=1, keepdims=True))
    return x / jnp.maximum(n, 1e-12)


def _pdist(a, b):
    # F.pairwise_distance(a, b, p=2) with default eps=1e-6
    diff = a - b + 1e-6
    return jnp.sqrt(jnp.sum(diff * diff, axis=1))


def setup_inputs(seed: int = 0) -> dict:
    key = jax.random.key(seed)
    k1, k2, k3 = jax.random.split(key, 3)
    feats_a = jax.random.normal(k1, (B, D), dtype=jnp.float32)
    feats_b = jax.random.normal(k2, (B, D), dtype=jnp.float32)
    feats_idx = jax.random.randint(k3, (B,), 0, N_TOTAL)
    # registered buffer: s_inv = zeros(N) + 1/s_init (single_s=False)
    s_inv = jnp.zeros((N_TOTAL,), dtype=jnp.float32) + 1.0 / S_INIT
    return {"feats_a": feats_a, "feats_b": feats_b, "feats_idx": feats_idx, "s_inv": s_inv}


def reference(feats_a, feats_b, feats_idx, s_inv):
    a = _normalize(feats_a)
    b = _normalize(feats_b)
    two_t2 = 2.0 * TEMP ** 2.0
    q_attr_a = jnp.exp(-1.0 * _pdist(a, b) ** 2 / two_t2)
    q_attr_b = jnp.exp(-1.0 * _pdist(b, a) ** 2 / two_t2)
    attractive_a = -jnp.log(q_attr_a)
    attractive_b = -jnp.log(q_attr_b)
    n = a.shape[0]
    neg_idxs = jnp.roll(jnp.arange(n), shift=-1)
    b_neg = jnp.take(b, neg_idxs, axis=0)
    a_neg = jnp.take(a, neg_idxs, axis=0)
    q_rep_a = jnp.exp(-1.0 * _pdist(a, b_neg) ** 2 / two_t2)
    q_rep_b = jnp.exp(-1.0 * _pdist(b, a_neg) ** 2 / two_t2)
    Npow2 = jnp.float32(N_TOTAL) ** 2
    Z_hat = jnp.take(s_inv, feats_idx) / Npow2
    repulsive_a = q_rep_a / Z_hat
    repulsive_b = q_rep_b / Z_hat
    loss_a = attractive_a.mean() + repulsive_a.mean()
    loss_b = attractive_b.mean() + repulsive_b.mean()
    loss = (loss_a + loss_b) / 2.0
    # update_s (no_grad, world_size=1 so all_gather/all_reduce are identity)
    qa = jax.lax.stop_gradient(q_attr_a)
    qb = jax.lax.stop_gradient(q_attr_b)
    qra = jax.lax.stop_gradient(q_rep_a)
    qrb = jax.lax.stop_gradient(q_rep_b)
    xi_a = ALPHA * qa + (1.0 - ALPHA) * qra
    xi_b = ALPHA * qb + (1.0 - ALPHA) * qrb
    s_old = jnp.take(s_inv, feats_idx)
    s_inv_a = RHO * s_old + (1.0 - RHO) * Npow2 * xi_a
    s_inv_b = RHO * s_old + (1.0 - RHO) * Npow2 * xi_b
    new_s_inv = s_inv.at[feats_idx].set((s_inv_a + s_inv_b) / 2.0)
    return loss, new_s_inv

if __name__ == "__main__":
    import jax
    _d = setup_inputs()
    print(jax.jit(kernel)(*tuple(_d.values())))

</pallas_src>

<mosaic_0001>
#map = affine_map<(d0, d1) -> (0)>
#map1 = affine_map<(d0, d1) -> (0, 0)>
module attributes {stable_mosaic.version = 14 : i64} {
  func.func @_sc_kernel_body(%arg0: i32, %arg1: i32, %arg2: memref<16384xi32, #tpu.memory_space<hbm>>, %arg3: memref<16384xf32, #tpu.memory_space<hbm>>, %arg4: memref<16384xf32, #tpu.memory_space<hbm>>, %arg5: memref<16384xf32, #tpu.memory_space<hbm>>, %arg6: memref<1000000xf32, #tpu.memory_space<hbm>>, %arg7: memref<1000000xf32, #tpu.memory_space<hbm>>, %arg8: memref<32x16xf32, #tpu.memory_space<hbm>>, %arg9: memref<16384xi32, #tpu.memory_space<vmem>>, %arg10: memref<16384xf32, #tpu.memory_space<vmem>>, %arg11: memref<16384xi32, #tpu.memory_space<vmem>>, %arg12: memref<512xi32, #tpu.memory_space<vmem>>, %arg13: memref<512xf32, #tpu.memory_space<vmem>>, %arg14: memref<512xf32, #tpu.memory_space<vmem>>, %arg15: memref<512xf32, #tpu.memory_space<vmem>>, %arg16: memref<31264xf32, #tpu.memory_space<vmem>>, %arg17: memref<16xf32, #tpu.memory_space<vmem>>, %arg18: memref<!tpu.dma_semaphore, #tpu.memory_space<semaphore_mem>>, %arg19: memref<!tpu.dma_semaphore, #tpu.memory_space<semaphore_mem>>, %arg20: memref<!tpu.dma_semaphore, #tpu.memory_space<semaphore_mem>>, %arg21: memref<4x!tpu.dma_semaphore, #tpu.memory_space<semaphore_mem>>) attributes {dimension_semantics = [#tpu.dimension_semantics<core_parallel>, #tpu.dimension_semantics<subcore_parallel>], iteration_bounds = array<i64: 2, 16>, scalar_prefetch = 0 : i64, scratch_operands = 13 : i64, tpu.core_type = #tpu.core_type<sc_vector_subcore>, window_params = [{transform_indices = #map}, {transform_indices = #map}, {transform_indices = #map}, {transform_indices = #map}, {transform_indices = #map}, {transform_indices = #map}, {transform_indices = #map1}]} {
    %mul3A = arith.constant 2 : i32
    %mul3A_0 = arith.muli %arg1, %mul3A : i32
    %add3A = arith.addi %mul3A_0, %arg0 : i32
    %mul3A_1 = arith.constant 31250 : i32
    %mul3A_2 = arith.muli %add3A, %mul3A_1 : i32
    %rem3A = arith.constant 8 : i32
    %rem3A_3 = arith.remsi %mul3A_2, %rem3A : i32
    %sub3A = arith.subi %mul3A_2, %rem3A_3 : i32
    %multiple_of3A = tpu.assume_multiple %sub3A, 8 : i32
    %mul3A_4 = arith.constant 512 : i32
    %mul3A_5 = arith.muli %add3A, %mul3A_4 : i32
    %dma_start3A = arith.constant 0 : i32
    %dma_start3A_6 = tpu.memref_slice %arg16[%dma_start3A] : memref<31264xf32, #tpu.memory_space<vmem>> -> memref<31256xf32, #tpu.memory_space<vmem>>
    %dma_start3A_7 = tpu.memref_slice %arg6[%multiple_of3A] : memref<1000000xf32, #tpu.memory_space<hbm>> -> memref<31256xf32, #tpu.memory_space<hbm>>
    %dma_start3A_8 = arith.constant 0 : i32
    %dma_start3A_9 = tpu.memref_slice %arg16[%dma_start3A_8] : memref<31264xf32, #tpu.memory_space<vmem>> -> memref<31256xf32, #tpu.memory_space<vmem>>
    %dma_start3A_10 = tpu.memref_slice %arg6[%multiple_of3A] : memref<1000000xf32, #tpu.memory_space<hbm>> -> memref<31256xf32, #tpu.memory_space<hbm>>
    tpu.enqueue_dma source(%dma_start3A_10 : memref<31256xf32, #tpu.memory_space<hbm>>) target(%dma_start3A_9 : memref<31256xf32, #tpu.memory_space<vmem>>) target_semaphore(%arg20 : memref<!tpu.dma_semaphore, #tpu.memory_space<semaphore_mem>>)
    %dma_start3A_11 = arith.constant 0 : i32
    %dma_start3A_12 = arith.constant 0 : i32
    %dma_start3A_13 = tpu.memref_slice %arg9[%dma_start3A_12] : memref<16384xi32, #tpu.memory_space<vmem>> -> memref<4096xi32, #tpu.memory_space<vmem>>
    %dma_start3A_14 = arith.constant 0 : i32
    %dma_start3A_15 = tpu.memref_slice %arg2[%dma_start3A_14] : memref<16384xi32, #tpu.memory_space<hbm>> -> memref<4096xi32, #tpu.memory_space<hbm>>
    %dma_start3A_16 = tpu.memref_slice %arg21[%dma_start3A_11] : memref<4x!tpu.dma_semaphore, #tpu.memory_space<semaphore_mem>> -> memref<1x!tpu.dma_semaphore, #tpu.memory_space<semaphore_mem>>
    %dma_start3A_17 = tpu.memref_squeeze %dma_start3A_16 : memref<1x!tpu.dma_semaphore, #tpu.memory_space<semaphore_mem>> -> memref<!tpu.dma_semaphore, #tpu.memory_space<semaphore_mem>>
    %dma_start3A_18 = arith.constant 0 : i32
    %dma_start3A_19 = tpu.memref_slice %arg9[%dma_start3A_18] : memref<16384xi32, #tpu.memory_space<vmem>> -> memref<4096xi32, #tpu.memory_space<vmem>>
    %dma_start3A_20 = arith.constant 0 : i32
    %dma_start3A_21 = tpu.memref_slice %arg2[%dma_start3A_20] : memref<16384xi32, #tpu.memory_space<hbm>> -> memref<4096xi32, #tpu.memory_space<hbm>>
    tpu.enqueue_dma source(%dma_start3A_21 : memref<4096xi32, #tpu.memory_space<hbm>>) target(%dma_start3A_19 : memref<4096xi32, #tpu.memory_space<vmem>>) target_semaphore(%dma_start3A_17 : memref<!tpu.dma_semaphore, #tpu.memory_space<semaphore_mem>>)
    %dma_start3A_22 = arith.constant 0 : i32
    %dma_start3A_23 = arith.constant 0 : i32
    %dma_start3A_24 = tpu.memref_slice %arg10[%dma_start3A_23] : memref<16384xf32, #tpu.memory_space<vmem>> -> memref<4096xf32, #tpu.memory_space<vmem>>
    %dma_start3A_25 = arith.constant 0 : i32
    %dma_start3A_26 = tpu.memref_slice %arg3[%dma_start3A_25] : memref<16384xf32, #tpu.memory_space<hbm>> -> memref<4096xf32, #tpu.memory_space<hbm>>
    %dma_start3A_27 = tpu.memref_slice %arg21[%dma_start3A_22] : memref<4x!tpu.dma_semaphore, #tpu.memory_space<semaphore_mem>> -> memref<1x!tpu.dma_semaphore, #tpu.memory_space<semaphore_mem>>
    %dma_start3A_28 = tpu.memref_squeeze %dma_start3A_27 : memref<1x!tpu.dma_semaphore, #tpu.memory_space<semaphore_mem>> -> memref<!tpu.dma_semaphore, #tpu.memory_space<semaphore_mem>>
    %dma_start3A_29 = arith.constant 0 : i32
    %dma_start3A_30 = tpu.memref_slice %arg10[%dma_start3A_29] : memref<16384xf32, #tpu.memory_space<vmem>> -> memref<4096xf32, #tpu.memory_space<vmem>>
    %dma_start3A_31 = arith.constant 0 : i32
    %dma_start3A_32 = tpu.memref_slice %arg3[%dma_start3A_31] : memref<16384xf32, #tpu.memory_space<hbm>> -> memref<4096xf32, #tpu.memory_space<hbm>>
    tpu.enqueue_dma source(%dma_start3A_32 : memref<4096xf32, #tpu.memory_space<hbm>>) target(%dma_start3A_30 : memref<4096xf32, #tpu.memory_space<vmem>>) target_semaphore(%dma_start3A_28 : memref<!tpu.dma_semaphore, #tpu.memory_space<semaphore_mem>>)
    %dma_start3A_33 = arith.constant 1 : i32
    %dma_start3A_34 = arith.constant 4096 : i32
    %dma_start3A_35 = tpu.memref_slice %arg9[%dma_start3A_34] : memref<16384xi32, #tpu.memory_space<vmem>> -> memref<4096xi32, #tpu.memory_space<vmem>>
    %dma_start3A_36 = arith.constant 4096 : i32
    %dma_start3A_37 = tpu.memref_slice %arg2[%dma_start3A_36] : memref<16384xi32, #tpu.memory_space<hbm>> -> memref<4096xi32, #tpu.memory_space<hbm>>
    %dma_start3A_38 = tpu.memref_slice %arg21[%dma_start3A_33] : memref<4x!tpu.dma_semaphore, #tpu.memory_space<semaphore_mem>> -> memref<1x!tpu.dma_semaphore, #tpu.memory_space<semaphore_mem>>
    %dma_start3A_39 = tpu.memref_squeeze %dma_start3A_38 : memref<1x!tpu.dma_semaphore, #tpu.memory_space<semaphore_mem>> -> memref<!tpu.dma_semaphore, #tpu.memory_space<semaphore_mem>>
    %dma_start3A_40 = arith.constant 4096 : i32
    %dma_start3A_41 = tpu.memref_slice %arg9[%dma_start3A_40] : memref<16384xi32, #tpu.memory_space<vmem>> -> memref<4096xi32, #tpu.memory_space<vmem>>
    %dma_start3A_42 = arith.constant 4096 : i32
    %dma_start3A_43 = tpu.memref_slice %arg2[%dma_start3A_42] : memref<16384xi32, #tpu.memory_space<hbm>> -> memref<4096xi32, #tpu.memory_space<hbm>>
    tpu.enqueue_dma source(%dma_start3A_43 : memref<4096xi32, #tpu.memory_space<hbm>>) target(%dma_start3A_41 : memref<4096xi32, #tpu.memory_space<vmem>>) target_semaphore(%dma_start3A_39 : memref<!tpu.dma_semaphore, #tpu.memory_space<semaphore_mem>>)
    %dma_start3A_44 = arith.constant 1 : i32
    %dma_start3A_45 = arith.constant 4096 : i32
    %dma_start3A_46 = tpu.memref_slice %arg10[%dma_start3A_45] : memref<16384xf32, #tpu.memory_space<vmem>> -> memref<4096xf32, #tpu.memory_space<vmem>>
    %dma_start3A_47 = arith.constant 4096 : i32
    %dma_start3A_48 = tpu.memref_slice %arg3[%dma_start3A_47] : memref<16384xf32, #tpu.memory_space<hbm>> -> memref<4096xf32, #tpu.memory_space<hbm>>
    %dma_start3A_49 = tpu.memref_slice %arg21[%dma_start3A_44] : memref<4x!tpu.dma_semaphore, #tpu.memory_space<semaphore_mem>> -> memref<1x!tpu.dma_semaphore, #tpu.memory_space<semaphore_mem>>
    %dma_start3A_50 = tpu.memref_squeeze %dma_start3A_49 : memref<1x!tpu.dma_semaphore, #tpu.memory_space<semaphore_mem>> -> memref<!tpu.dma_semaphore, #tpu.memory_space<semaphore_mem>>
    %dma_start3A_51 = arith.constant 4096 : i32
    %dma_start3A_52 = tpu.memref_slice %arg10[%dma_start3A_51] : memref<16384xf32, #tpu.memory_space<vmem>> -> memref<4096xf32, #tpu.memory_space<vmem>>
    %dma_start3A_53 = arith.constant 4096 : i32
    %dma_start3A_54 = tpu.memref_slice %arg3[%dma_start3A_53] : memref<16384xf32, #tpu.memory_space<hbm>> -> memref<4096xf32, #tpu.memory_space<hbm>>
    tpu.enqueue_dma source(%dma_start3A_54 : memref<4096xf32, #tpu.memory_space<hbm>>) target(%dma_start3A_52 : memref<4096xf32, #tpu.memory_space<vmem>>) target_semaphore(%dma_start3A_50 : memref<!tpu.dma_semaphore, #tpu.memory_space<semaphore_mem>>)
    %dma_start3A_55 = arith.constant 2 : i32
    %dma_start3A_56 = arith.constant 8192 : i32
    %dma_start3A_57 = tpu.memref_slice %arg9[%dma_start3A_56] : memref<16384xi32, #tpu.memory_space<vmem>> -> memref<4096xi32, #tpu.memory_space<vmem>>
    %dma_start3A_58 = arith.constant 8192 : i32
    %dma_start3A_59 = tpu.memref_slice %arg2[%dma_start3A_58] : memref<16384xi32, #tpu.memory_space<hbm>> -> memref<4096xi32, #tpu.memory_space<hbm>>
    %dma_start3A_60 = tpu.memref_slice %arg21[%dma_start3A_55] : memref<4x!tpu.dma_semaphore, #tpu.memory_space<semaphore_mem>> -> memref<1x!tpu.dma_semaphore, #tpu.memory_space<semaphore_mem>>
    %dma_start3A_61 = tpu.memref_squeeze %dma_start3A_60 : memref<1x!tpu.dma_semaphore, #tpu.memory_space<semaphore_mem>> -> memref<!tpu.dma_semaphore, #tpu.memory_space<semaphore_mem>>
    %dma_start3A_62 = arith.constant 8192 : i32
    %dma_start3A_63 = tpu.memref_slice %arg9[%dma_start3A_62] : memref<16384xi32, #tpu.memory_space<vmem>> -> memref<4096xi32, #tpu.memory_space<vmem>>
    %dma_start3A_64 = arith.constant 8192 : i32
    %dma_start3A_65 = tpu.memref_slice %arg2[%dma_start3A_64] : memref<16384xi32, #tpu.memory_space<hbm>> -> memref<4096xi32, #tpu.memory_space<hbm>>
    tpu.enqueue_dma source(%dma_start3A_65 : memref<4096xi32, #tpu.memory_space<hbm>>) target(%dma_start3A_63 : memref<4096xi32, #tpu.memory_space<vmem>>) target_semaphore(%dma_start3A_61 : memref<!tpu.dma_semaphore, #tpu.memory_space<semaphore_mem>>)
    %dma_start3A_66 = arith.constant 2 : i32
    %dma_start3A_67 = arith.constant 8192 : i32
    %dma_start3A_68 = tpu.memref_slice %arg10[%dma_start3A_67] : memref<16384xf32, #tpu.memory_space<vmem>> -> memref<4096xf32, #tpu.memory_space<vmem>>
    %dma_start3A_69 = arith.constant 8192 : i32
    %dma_start3A_70 = tpu.memref_slice %arg3[%dma_start3A_69] : memref<16384xf32, #tpu.memory_space<hbm>> -> memref<4096xf32, #tpu.memory_space<hbm>>
    %dma_start3A_71 = tpu.memref_slice %arg21[%dma_start3A_66] : memref<4x!tpu.dma_semaphore, #tpu.memory_space<semaphore_mem>> -> memref<1x!tpu.dma_semaphore, #tpu.memory_space<semaphore_mem>>
    %dma_start3A_72 = tpu.memref_squeeze %dma_start3A_71 : memref<1x!tpu.dma_semaphore, #tpu.memory_space<semaphore_mem>> -> memref<!tpu.dma_semaphore, #tpu.memory_space<semaphore_mem>>
    %dma_start3A_73 = arith.constant 8192 : i32
    %dma_start3A_74 = tpu.memref_slice %arg10[%dma_start3A_73] : memref<16384xf32, #tpu.memory_space<vmem>> -> memref<4096xf32, #tpu.memory_space<vmem>>
    %dma_start3A_75 = arith.constant 8192 : i32
    %dma_start3A_76 = tpu.memref_slice %arg3[%dma_start3A_75] : memref<16384xf32, #tpu.memory_space<hbm>> -> memref<4096xf32, #tpu.memory_space<hbm>>
    tpu.enqueue_dma source(%dma_start3A_76 : memref<4096xf32, #tpu.memory_space<hbm>>) target(%dma_start3A_74 : memref<4096xf32, #tpu.memory_space<vmem>>) target_semaphore(%dma_start3A_72 : memref<!tpu.dma_semaphore, #tpu.memory_space<semaphore_mem>>)
    %dma_start3A_77 = arith.constant 3 : i32
    %dma_start3A_78 = arith.constant 12288 : i32
    %dma_start3A_79 = tpu.memref_slice %arg9[%dma_start3A_78] : memref<16384xi32, #tpu.memory_space<vmem>> -> memref<4096xi32, #tpu.memory_space<vmem>>
    %dma_start3A_80 = arith.constant 12288 : i32
    %dma_start3A_81 = tpu.memref_slice %arg2[%dma_start3A_80] : memref<16384xi32, #tpu.memory_space<hbm>> -> memref<4096xi32, #tpu.memory_space<hbm>>
    %dma_start3A_82 = tpu.memref_slice %arg21[%dma_start3A_77] : memref<4x!tpu.dma_semaphore, #tpu.memory_space<semaphore_mem>> -> memref<1x!tpu.dma_semaphore, #tpu.memory_space<semaphore_mem>>
    %dma_start3A_83 = tpu.memref_squeeze %dma_start3A_82 : memref<1x!tpu.dma_semaphore, #tpu.memory_space<semaphore_mem>> -> memref<!tpu.dma_semaphore, #tpu.memory_space<semaphore_mem>>
    %dma_start3A_84 = arith.constant 12288 : i32
    %dma_start3A_85 = tpu.memref_slice %arg9[%dma_start3A_84] : memref<16384xi32, #tpu.memory_space<vmem>> -> memref<4096xi32, #tpu.memory_space<vmem>>
    %dma_start3A_86 = arith.constant 12288 : i32
    %dma_start3A_87 = tpu.memref_slice %arg2[%dma_start3A_86] : memref<16384xi32, #tpu.memory_space<hbm>> -> memref<4096xi32, #tpu.memory_space<hbm>>
    tpu.enqueue_dma source(%dma_start3A_87 : memref<4096xi32, #tpu.memory_space<hbm>>) target(%dma_start3A_85 : memref<4096xi32, #tpu.memory_space<vmem>>) target_semaphore(%dma_start3A_83 : memref<!tpu.dma_semaphore, #tpu.memory_space<semaphore_mem>>)
    %dma_start3A_88 = arith.constant 3 : i32
    %dma_start3A_89 = arith.constant 12288 : i32
    %dma_start3A_90 = tpu.memref_slice %arg10[%dma_start3A_89] : memref<16384xf32, #tpu.memory_space<vmem>> -> memref<4096xf32, #tpu.memory_space<vmem>>
    %dma_start3A_91 = arith.constant 12288 : i32
    %dma_start3A_92 = tpu.memref_slice %arg3[%dma_start3A_91] : memref<16384xf32, #tpu.memory_space<hbm>> -> memref<4096xf32, #tpu.memory_space<hbm>>
    %dma_start3A_93 = tpu.memref_slice %arg21[%dma_start3A_88] : memref<4x!tpu.dma_semaphore, #tpu.memory_space<semaphore_mem>> -> memref<1x!tpu.dma_semaphore, #tpu.memory_space<semaphore_mem>>
    %dma_start3A_94 = tpu.memref_squeeze %dma_start3A_93 : memref<1x!tpu.dma_semaphore, #tpu.memory_space<semaphore_mem>> -> memref<!tpu.dma_semaphore, #tpu.memory_space<semaphore_mem>>
    %dma_start3A_95 = arith.constant 12288 : i32
    %dma_start3A_96 = tpu.memref_slice %arg10[%dma_start3A_95] : memref<16384xf32, #tpu.memory_space<vmem>> -> memref<4096xf32, #tpu.memory_space<vmem>>
    %dma_start3A_97 = arith.constant 12288 : i32
    %dma_start3A_98 = tpu.memref_slice %arg3[%dma_start3A_97] : memref<16384xf32, #tpu.memory_space<hbm>> -> memref<4096xf32, #tpu.memory_space<hbm>>
    tpu.enqueue_dma source(%dma_start3A_98 : memref<4096xf32, #tpu.memory_space<hbm>>) target(%dma_start3A_96 : memref<4096xf32, #tpu.memory_space<vmem>>) target_semaphore(%dma_start3A_94 : memref<!tpu.dma_semaphore, #tpu.memory_space<semaphore_mem>>)
    %dma_start3A_99 = tpu.memref_slice %arg2[%mul3A_5] : memref<16384xi32, #tpu.memory_space<hbm>> -> memref<512xi32, #tpu.memory_space<hbm>>
    %dma_start3A_100 = tpu.memref_slice %arg2[%mul3A_5] : memref<16384xi32, #tpu.memory_space<hbm>> -> memref<512xi32, #tpu.memory_space<hbm>>
    tpu.enqueue_dma source(%dma_start3A_100 : memref<512xi32, #tpu.memory_space<hbm>>) target(%arg12 : memref<512xi32, #tpu.memory_space<vmem>>) target_semaphore(%arg18 : memref<!tpu.dma_semaphore, #tpu.memory_space<semaphore_mem>>)
    %dma_start3A_101 = tpu.memref_slice %arg4[%mul3A_5] : memref<16384xf32, #tpu.memory_space<hbm>> -> memref<512xf32, #tpu.memory_space<hbm>>
    %dma_start3A_102 = tpu.memref_slice %arg4[%mul3A_5] : memref<16384xf32, #tpu.memory_space<hbm>> -> memref<512xf32, #tpu.memory_space<hbm>>
    tpu.enqueue_dma source(%dma_start3A_102 : memref<512xf32, #tpu.memory_space<hbm>>) target(%arg14 : memref<512xf32, #tpu.memory_space<vmem>>) target_semaphore(%arg18 : memref<!tpu.dma_semaphore, #tpu.memory_space<semaphore_mem>>)
    %dma_start3A_103 = tpu.memref_slice %arg5[%mul3A_5] : memref<16384xf32, #tpu.memory_space<hbm>> -> memref<512xf32, #tpu.memory_space<hbm>>
    %dma_start3A_104 = tpu.memref_slice %arg5[%mul3A_5] : memref<16384xf32, #tpu.memory_space<hbm>> -> memref<512xf32, #tpu.memory_space<hbm>>
    tpu.enqueue_dma source(%dma_start3A_104 : memref<512xf32, #tpu.memory_space<hbm>>) target(%arg15 : memref<512xf32, #tpu.memory_space<vmem>>) target_semaphore(%arg18 : memref<!tpu.dma_semaphore, #tpu.memory_space<semaphore_mem>>)
    %dma_wait3A = arith.constant 0 : i32
    %dma_wait3A_105 = tpu.memref_slice %arg16[%dma_wait3A] : memref<31264xf32, #tpu.memory_space<vmem>> -> memref<31256xf32, #tpu.memory_space<vmem>>
    %dma_wait3A_106 = tpu.memref_slice %arg6[%multiple_of3A] : memref<1000000xf32, #tpu.memory_space<hbm>> -> memref<31256xf32, #tpu.memory_space<hbm>>
    %dma_wait3A_107 = arith.constant 0 : i32
    %dma_wait3A_108 = tpu.memref_slice %arg16[%dma_wait3A_107] : memref<31264xf32, #tpu.memory_space<vmem>> -> memref<31256xf32, #tpu.memory_space<vmem>>
    %dma_wait3A_109 = tpu.memref_slice %arg6[%multiple_of3A] : memref<1000000xf32, #tpu.memory_space<hbm>> -> memref<31256xf32, #tpu.memory_space<hbm>>
    tpu.wait_dma2 semaphore(%arg20 : memref<!tpu.dma_semaphore, #tpu.memory_space<semaphore_mem>>) src(%dma_wait3A_109 : memref<31256xf32, #tpu.memory_space<hbm>>) dst(%dma_wait3A_108 : memref<31256xf32, #tpu.memory_space<vmem>>)
    %dma_wait3A_110 = tpu.memref_slice %arg2[%mul3A_5] : memref<16384xi32, #tpu.memory_space<hbm>> -> memref<512xi32, #tpu.memory_space<hbm>>
    %dma_wait3A_111 = tpu.memref_slice %arg2[%mul3A_5] : memref<16384xi32, #tpu.memory_space<hbm>> -> memref<512xi32, #tpu.memory_space<hbm>>
    tpu.wait_dma2 semaphore(%arg18 : memref<!tpu.dma_semaphore, #tpu.memory_space<semaphore_mem>>) src(%dma_wait3A_111 : memref<512xi32, #tpu.memory_space<hbm>>) dst(%arg12 : memref<512xi32, #tpu.memory_space<vmem>>)
    %dma_wait3A_112 = tpu.memref_slice %arg4[%mul3A_5] : memref<16384xf32, #tpu.memory_space<hbm>> -> memref<512xf32, #tpu.memory_space<hbm>>
    %dma_wait3A_113 = tpu.memref_slice %arg4[%mul3A_5] : memref<16384xf32, #tpu.memory_space<hbm>> -> memref<512xf32, #tpu.memory_space<hbm>>
    tpu.wait_dma2 semaphore(%arg18 : memref<!tpu.dma_semaphore, #tpu.memory_space<semaphore_mem>>) src(%dma_wait3A_113 : memref<512xf32, #tpu.memory_space<hbm>>) dst(%arg14 : memref<512xf32, #tpu.memory_space<vmem>>)
    %dma_wait3A_114 = tpu.memref_slice %arg5[%mul3A_5] : memref<16384xf32, #tpu.memory_space<hbm>> -> memref<512xf32, #tpu.memory_space<hbm>>
    %dma_wait3A_115 = tpu.memref_slice %arg5[%mul3A_5] : memref<16384xf32, #tpu.memory_space<hbm>> -> memref<512xf32, #tpu.memory_space<hbm>>
    tpu.wait_dma2 semaphore(%arg18 : memref<!tpu.dma_semaphore, #tpu.memory_space<semaphore_mem>>) src(%dma_wait3A_115 : memref<512xf32, #tpu.memory_space<hbm>>) dst(%arg15 : memref<512xf32, #tpu.memory_space<vmem>>)
    %dma_start3A_116 = arith.constant 0 : i32
    %dma_start3A_117 = tpu.memref_slice %arg6[%dma_start3A_116] : memref<1000000xf32, #tpu.memory_space<hbm>> -> memref<1000000xf32, #tpu.memory_space<hbm>>
    tpu.enqueue_indirect_dma source(%dma_start3A_117 : memref<1000000xf32, #tpu.memory_space<hbm>>) target(%arg13 : memref<512xf32, #tpu.memory_space<vmem>>) offsets(%arg12 : memref<512xi32, #tpu.memory_space<vmem>>) semaphore(%arg19 : memref<!tpu.dma_semaphore, #tpu.memory_space<semaphore_mem>>)
    %broadcast_in_dim3A = arith.constant 0.000000e+00 : f32
    %broadcast_in_dim3A_118 = vector.broadcast %broadcast_in_dim3A : f32 to vector<16xf32>
    %dma_wait3A_119 = arith.constant 0 : i32
    %dma_wait3A_120 = arith.constant 0 : i32
    %dma_wait3A_121 = tpu.memref_slice %arg9[%dma_wait3A_120] : memref<16384xi32, #tpu.memory_space<vmem>> -> memref<4096xi32, #tpu.memory_space<vmem>>
    %dma_wait3A_122 = arith.constant 0 : i32
    %dma_wait3A_123 = tpu.memref_slice %arg2[%dma_wait3A_122] : memref<16384xi32, #tpu.memory_space<hbm>> -> memref<4096xi32, #tpu.memory_space<hbm>>
    %dma_wait3A_124 = tpu.memref_slice %arg21[%dma_wait3A_119] : memref<4x!tpu.dma_semaphore, #tpu.memory_space<semaphore_mem>> -> memref<1x!tpu.dma_semaphore, #tpu.memory_space<semaphore_mem>>
    %dma_wait3A_125 = tpu.memref_squeeze %dma_wait3A_124 : memref<1x!tpu.dma_semaphore, #tpu.memory_space<semaphore_mem>> -> memref<!tpu.dma_semaphore, #tpu.memory_space<semaphore_mem>>
    %dma_wait3A_126 = arith.constant 0 : i32
    %dma_wait3A_127 = tpu.memref_slice %arg9[%dma_wait3A_126] : memref<16384xi32, #tpu.memory_space<vmem>> -> memref<4096xi32, #tpu.memory_space<vmem>>
    %dma_wait3A_128 = arith.constant 0 : i32
    %dma_wait3A_129 = tpu.memref_slice %arg2[%dma_wait3A_128] : memref<16384xi32, #tpu.memory_space<hbm>> -> memref<4096xi32, #tpu.memory_space<hbm>>
    tpu.wait_dma2 semaphore(%dma_wait3A_125 : memref<!tpu.dma_semaphore, #tpu.memory_space<semaphore_mem>>) src(%dma_wait3A_129 : memref<4096xi32, #tpu.memory_space<hbm>>) dst(%dma_wait3A_127 : memref<4096xi32, #tpu.memory_space<vmem>>)
    %dma_wait3A_130 = arith.constant 0 : i32
    %dma_wait3A_131 = arith.constant 0 : i32
    %dma_wait3A_132 = tpu.memref_slice %arg10[%dma_wait3A_131] : memref<16384xf32, #tpu.memory_space<vmem>> -> memref<4096xf32, #tpu.memory_space<vmem>>
    %dma_wait3A_133 = arith.constant 0 : i32
    %dma_wait3A_134 = tpu.memref_slice %arg3[%dma_wait3A_133] : memref<16384xf32, #tpu.memory_space<hbm>> -> memref<4096xf32, #tpu.memory_space<hbm>>
    %dma_wait3A_135 = tpu.memref_slice %arg21[%dma_wait3A_130] : memref<4x!tpu.dma_semaphore, #tpu.memory_space<semaphore_mem>> -> memref<1x!tpu.dma_semaphore, #tpu.memory_space<semaphore_mem>>
    %dma_wait3A_136 = tpu.memref_squeeze %dma_wait3A_135 : memref<1x!tpu.dma_semaphore, #tpu.memory_space<semaphore_mem>> -> memref<!tpu.dma_semaphore, #tpu.memory_space<semaphore_mem>>
    %dma_wait3A_137 = arith.constant 0 : i32
    %dma_wait3A_138 = tpu.memref_slice %arg10[%dma_wait3A_137] : memref<16384xf32, #tpu.memory_space<vmem>> -> memref<4096xf32, #tpu.memory_space<vmem>>
    %dma_wait3A_139 = arith.constant 0 : i32
    %dma_wait3A_140 = tpu.memref_slice %arg3[%dma_wait3A_139] : memref<16384xf32, #tpu.memory_space<hbm>> -> memref<4096xf32, #tpu.memory_space<hbm>>
    tpu.wait_dma2 semaphore(%dma_wait3A_136 : memref<!tpu.dma_semaphore, #tpu.memory_space<semaphore_mem>>) src(%dma_wait3A_140 : memref<4096xf32, #tpu.memory_space<hbm>>) dst(%dma_wait3A_138 : memref<4096xf32, #tpu.memory_space<vmem>>)
    %parallel_loop3A = arith.constant 0 : i32
    %parallel_loop3A_141 = arith.constant 256 : i32
    %parallel_loop3A_142 = arith.constant 1 : i32
    %parallel_loop3A_143 = arith.constant 9.900000e-01 : f32
    scf.for %parallel_loop3A_249 = %parallel_loop3A to %parallel_loop3A_141 step %parallel_loop3A_142  : i32 {
      %parallel_loop3A_250 = arith.constant 16 : i32
      %parallel_loop3A_251 = arith.muli %parallel_loop3A_249, %parallel_loop3A_250 : i32
      %parallel_loop3A_252 = arith.index_cast %parallel_loop3A_251 : i32 to index
      %parallel_loop3A_253 = tpu.vector_load %arg9[%parallel_loop3A_252] {strides = array<i32>} : memref<16384xi32, #tpu.memory_space<vmem>>, vector<16xi32>,
      %parallel_loop3A_254 = vector.broadcast %multiple_of3A : i32 to vector<16xi32>
      %parallel_loop3A_255 = arith.subi %parallel_loop3A_253, %parallel_loop3A_254 : vector<16xi32>
      %parallel_loop3A_256 = arith.constant 0 : i32
      %parallel_loop3A_257 = vector.broadcast %parallel_loop3A_256 : i32 to vector<16xi32>
      %parallel_loop3A_258 = arith.cmpi sge, %parallel_loop3A_255, %parallel_loop3A_257 : vector<16xi32>
      %parallel_loop3A_259 = arith.constant 31256 : i32
      %parallel_loop3A_260 = vector.broadcast %parallel_loop3A_259 : i32 to vector<16xi32>
      %parallel_loop3A_261 = arith.cmpi slt, %parallel_loop3A_255, %parallel_loop3A_260 : vector<16xi32>
      %parallel_loop3A_262 = arith.andi %parallel_loop3A_258, %parallel_loop3A_261 : vector<16xi1>
      %parallel_loop3A_263 = arith.constant 31256 : i32
      %parallel_loop3A_264 = vector.broadcast %parallel_loop3A_263 : i32 to vector<16xi32>
      %parallel_loop3A_265 = arith.select %parallel_loop3A_262, %parallel_loop3A_255, %parallel_loop3A_264 : vector<16xi1>, vector<16xi32>
      %parallel_loop3A_266 = tpu.vector_load_idx %arg16[%parallel_loop3A_265] : memref<31264xf32, #tpu.memory_space<vmem>>[vector<16xi32>], vector<16xf32>,
      %parallel_loop3A_267 = vector.broadcast %parallel_loop3A_143 : f32 to vector<16xf32>
      %parallel_loop3A_268 = arith.mulf %parallel_loop3A_267, %parallel_loop3A_266 : vector<16xf32>
      %parallel_loop3A_269 = arith.index_cast %parallel_loop3A_251 : i32 to index
      %parallel_loop3A_270 = tpu.vector_load %arg10[%parallel_loop3A_269] {strides = array<i32>} : memref<16384xf32, #tpu.memory_space<vmem>>, vector<16xf32>,
      %parallel_loop3A_271 = arith.addf %parallel_loop3A_268, %parallel_loop3A_270 : vector<16xf32>
      %parallel_loop3A_272 = arith.index_cast %parallel_loop3A_251 : i32 to index
      %parallel_loop3A_273 = tpu.vector_load %arg10[%parallel_loop3A_272] {strides = array<i32>} : memref<16384xf32, #tpu.memory_space<vmem>>, vector<16xf32>,
      tpu.vector_store %arg10[%parallel_loop3A_272], %parallel_loop3A_271 {strides = array<i32>} : memref<16384xf32, #tpu.memory_space<vmem>>, vector<16xf32>,
      %parallel_loop3A_274 = arith.index_cast %parallel_loop3A_251 : i32 to index
      %parallel_loop3A_275 = tpu.vector_load %arg11[%parallel_loop3A_274] {strides = array<i32>} : memref<16384xi32, #tpu.memory_space<vmem>>, vector<16xi32>,
      tpu.vector_store %arg11[%parallel_loop3A_274], %parallel_loop3A_265 {strides = array<i32>} : memref<16384xi32, #tpu.memory_space<vmem>>, vector<16xi32>,
    } {sc.loop_unroll_factor = 8 : i64, sc.parallel_access}
    %dma_wait3A_144 = arith.constant 1 : i32
    %dma_wait3A_145 = arith.constant 4096 : i32
    %dma_wait3A_146 = tpu.memref_slice %arg9[%dma_wait3A_145] : memref<16384xi32, #tpu.memory_space<vmem>> -> memref<4096xi32, #tpu.memory_space<vmem>>
    %dma_wait3A_147 = arith.constant 4096 : i32
    %dma_wait3A_148 = tpu.memref_slice %arg2[%dma_wait3A_147] : memref<16384xi32, #tpu.memory_space<hbm>> -> memref<4096xi32, #tpu.memory_space<hbm>>
    %dma_wait3A_149 = tpu.memref_slice %arg21[%dma_wait3A_144] : memref<4x!tpu.dma_semaphore, #tpu.memory_space<semaphore_mem>> -> memref<1x!tpu.dma_semaphore, #tpu.memory_space<semaphore_mem>>
    %dma_wait3A_150 = tpu.memref_squeeze %dma_wait3A_149 : memref<1x!tpu.dma_semaphore, #tpu.memory_space<semaphore_mem>> -> memref<!tpu.dma_semaphore, #tpu.memory_space<semaphore_mem>>
    %dma_wait3A_151 = arith.constant 4096 : i32
    %dma_wait3A_152 = tpu.memref_slice %arg9[%dma_wait3A_151] : memref<16384xi32, #tpu.memory_space<vmem>> -> memref<4096xi32, #tpu.memory_space<vmem>>
    %dma_wait3A_153 = arith.constant 4096 : i32
    %dma_wait3A_154 = tpu.memref_slice %arg2[%dma_wait3A_153] : memref<16384xi32, #tpu.memory_space<hbm>> -> memref<4096xi32, #tpu.memory_space<hbm>>
    tpu.wait_dma2 semaphore(%dma_wait3A_150 : memref<!tpu.dma_semaphore, #tpu.memory_space<semaphore_mem>>) src(%dma_wait3A_154 : memref<4096xi32, #tpu.memory_space<hbm>>) dst(%dma_wait3A_152 : memref<4096xi32, #tpu.memory_space<vmem>>)
    %dma_wait3A_155 = arith.constant 1 : i32
    %dma_wait3A_156 = arith.constant 4096 : i32
    %dma_wait3A_157 = tpu.memref_slice %arg10[%dma_wait3A_156] : memref<16384xf32, #tpu.memory_space<vmem>> -> memref<4096xf32, #tpu.memory_space<vmem>>
    %dma_wait3A_158 = arith.constant 4096 : i32
    %dma_wait3A_159 = tpu.memref_slice %arg3[%dma_wait3A_158] : memref<16384xf32, #tpu.memory_space<hbm>> -> memref<4096xf32, #tpu.memory_space<hbm>>
    %dma_wait3A_160 = tpu.memref_slice %arg21[%dma_wait3A_155] : memref<4x!tpu.dma_semaphore, #tpu.memory_space<semaphore_mem>> -> memref<1x!tpu.dma_semaphore, #tpu.memory_space<semaphore_mem>>
    %dma_wait3A_161 = tpu.memref_squeeze %dma_wait3A_160 : memref<1x!tpu.dma_semaphore, #tpu.memory_space<semaphore_mem>> -> memref<!tpu.dma_semaphore, #tpu.memory_space<semaphore_mem>>
    %dma_wait3A_162 = arith.constant 4096 : i32
    %dma_wait3A_163 = tpu.memref_slice %arg10[%dma_wait3A_162] : memref<16384xf32, #tpu.memory_space<vmem>> -> memref<4096xf32, #tpu.memory_space<vmem>>
    %dma_wait3A_164 = arith.constant 4096 : i32
    %dma_wait3A_165 = tpu.memref_slice %arg3[%dma_wait3A_164] : memref<16384xf32, #tpu.memory_space<hbm>> -> memref<4096xf32, #tpu.memory_space<hbm>>
    tpu.wait_dma2 semaphore(%dma_wait3A_161 : memref<!tpu.dma_semaphore, #tpu.memory_space<semaphore_mem>>) src(%dma_wait3A_165 : memref<4096xf32, #tpu.memory_space<hbm>>) dst(%dma_wait3A_163 : memref<4096xf32, #tpu.memory_space<vmem>>)
    %parallel_loop3A_166 = arith.constant 256 : i32
    %parallel_loop3A_167 = arith.constant 512 : i32
    %parallel_loop3A_168 = arith.constant 1 : i32
    %parallel_loop3A_169 = arith.constant 9.900000e-01 : f32
    scf.for %parallel_loop3A_249 = %parallel_loop3A_166 to %parallel_loop3A_167 step %parallel_loop3A_168  : i32 {
      %parallel_loop3A_250 = arith.constant 16 : i32
      %parallel_loop3A_251 = arith.muli %parallel_loop3A_249, %parallel_loop3A_250 : i32
      %parallel_loop3A_252 = arith.index_cast %parallel_loop3A_251 : i32 to index
      %parallel_loop3A_253 = tpu.vector_load %arg9[%parallel_loop3A_252] {strides = array<i32>} : memref<16384xi32, #tpu.memory_space<vmem>>, vector<16xi32>,
      %parallel_loop3A_254 = vector.broadcast %multiple_of3A : i32 to vector<16xi32>
      %parallel_loop3A_255 = arith.subi %parallel_loop3A_253, %parallel_loop3A_254 : vector<16xi32>
      %parallel_loop3A_256 = arith.constant 0 : i32
      %parallel_loop3A_257 = vector.broadcast %parallel_loop3A_256 : i32 to vector<16xi32>
      %parallel_loop3A_258 = arith.cmpi sge, %parallel_loop3A_255, %parallel_loop3A_257 : vector<16xi32>
      %parallel_loop3A_259 = arith.constant 31256 : i32
      %parallel_loop3A_260 = vector.broadcast %parallel_loop3A_259 : i32 to vector<16xi32>
      %parallel_loop3A_261 = arith.cmpi slt, %parallel_loop3A_255, %parallel_loop3A_260 : vector<16xi32>
      %parallel_loop3A_262 = arith.andi %parallel_loop3A_258, %parallel_loop3A_261 : vector<16xi1>
      %parallel_loop3A_263 = arith.constant 31256 : i32
      %parallel_loop3A_264 = vector.broadcast %parallel_loop3A_263 : i32 to vector<16xi32>
      %parallel_loop3A_265 = arith.select %parallel_loop3A_262, %parallel_loop3A_255, %parallel_loop3A_264 : vector<16xi1>, vector<16xi32>
      %parallel_loop3A_266 = tpu.vector_load_idx %arg16[%parallel_loop3A_265] : memref<31264xf32, #tpu.memory_space<vmem>>[vector<16xi32>], vector<16xf32>,
      %parallel_loop3A_267 = vector.broadcast %parallel_loop3A_169 : f32 to vector<16xf32>
      %parallel_loop3A_268 = arith.mulf %parallel_loop3A_267, %parallel_loop3A_266 : vector<16xf32>
      %parallel_loop3A_269 = arith.index_cast %parallel_loop3A_251 : i32 to index
      %parallel_loop3A_270 = tpu.vector_load %arg10[%parallel_loop3A_269] {strides = array<i32>} : memref<16384xf32, #tpu.memory_space<vmem>>, vector<16xf32>,
      %parallel_loop3A_271 = arith.addf %parallel_loop3A_268, %parallel_loop3A_270 : vector<16xf32>
      %parallel_loop3A_272 = arith.index_cast %parallel_loop3A_251 : i32 to index
      %parallel_loop3A_273 = tpu.vector_load %arg10[%parallel_loop3A_272] {strides = array<i32>} : memref<16384xf32, #tpu.memory_space<vmem>>, vector<16xf32>,
      tpu.vector_store %arg10[%parallel_loop3A_272], %parallel_loop3A_271 {strides = array<i32>} : memref<16384xf32, #tpu.memory_space<vmem>>, vector<16xf32>,
      %parallel_loop3A_274 = arith.index_cast %parallel_loop3A_251 : i32 to index
      %parallel_loop3A_275 = tpu.vector_load %arg11[%parallel_loop3A_274] {strides = array<i32>} : memref<16384xi32, #tpu.memory_space<vmem>>, vector<16xi32>,
      tpu.vector_store %arg11[%parallel_loop3A_274], %parallel_loop3A_265 {strides = array<i32>} : memref<16384xi32, #tpu.memory_space<vmem>>, vector<16xi32>,
    } {sc.loop_unroll_factor = 8 : i64, sc.parallel_access}
    %dma_wait3A_170 = arith.constant 2 : i32
    %dma_wait3A_171 = arith.constant 8192 : i32
    %dma_wait3A_172 = tpu.memref_slice %arg9[%dma_wait3A_171] : memref<16384xi32, #tpu.memory_space<vmem>> -> memref<4096xi32, #tpu.memory_space<vmem>>
    %dma_wait3A_173 = arith.constant 8192 : i32
    %dma_wait3A_174 = tpu.memref_slice %arg2[%dma_wait3A_173] : memref<16384xi32, #tpu.memory_space<hbm>> -> memref<4096xi32, #tpu.memory_space<hbm>>
    %dma_wait3A_175 = tpu.memref_slice %arg21[%dma_wait3A_170] : memref<4x!tpu.dma_semaphore, #tpu.memory_space<semaphore_mem>> -> memref<1x!tpu.dma_semaphore, #tpu.memory_space<semaphore_mem>>
    %dma_wait3A_176 = tpu.memref_squeeze %dma_wait3A_175 : memref<1x!tpu.dma_semaphore, #tpu.memory_space<semaphore_mem>> -> memref<!tpu.dma_semaphore, #tpu.memory_space<semaphore_mem>>
    %dma_wait3A_177 = arith.constant 8192 : i32
    %dma_wait3A_178 = tpu.memref_slice %arg9[%dma_wait3A_177] : memref<16384xi32, #tpu.memory_space<vmem>> -> memref<4096xi32, #tpu.memory_space<vmem>>
    %dma_wait3A_179 = arith.constant 8192 : i32
    %dma_wait3A_180 = tpu.memref_slice %arg2[%dma_wait3A_179] : memref<16384xi32, #tpu.memory_space<hbm>> -> memref<4096xi32, #tpu.memory_space<hbm>>
    tpu.wait_dma2 semaphore(%dma_wait3A_176 : memref<!tpu.dma_semaphore, #tpu.memory_space<semaphore_mem>>) src(%dma_wait3A_180 : memref<4096xi32, #tpu.memory_space<hbm>>) dst(%dma_wait3A_178 : memref<4096xi32, #tpu.memory_space<vmem>>)
    %dma_wait3A_181 = arith.constant 2 : i32
    %dma_wait3A_182 = arith.constant 8192 : i32
    %dma_wait3A_183 = tpu.memref_slice %arg10[%dma_wait3A_182] : memref<16384xf32, #tpu.memory_space<vmem>> -> memref<4096xf32, #tpu.memory_space<vmem>>
    %dma_wait3A_184 = arith.constant 8192 : i32
    %dma_wait3A_185 = tpu.memref_slice %arg3[%dma_wait3A_184] : memref<16384xf32, #tpu.memory_space<hbm>> -> memref<4096xf32, #tpu.memory_space<hbm>>
    %dma_wait3A_186 = tpu.memref_slice %arg21[%dma_wait3A_181] : memref<4x!tpu.dma_semaphore, #tpu.memory_space<semaphore_mem>> -> memref<1x!tpu.dma_semaphore, #tpu.memory_space<semaphore_mem>>
    %dma_wait3A_187 = tpu.memref_squeeze %dma_wait3A_186 : memref<1x!tpu.dma_semaphore, #tpu.memory_space<semaphore_mem>> -> memref<!tpu.dma_semaphore, #tpu.memory_space<semaphore_mem>>
    %dma_wait3A_188 = arith.constant 8192 : i32
    %dma_wait3A_189 = tpu.memref_slice %arg10[%dma_wait3A_188] : memref<16384xf32, #tpu.memory_space<vmem>> -> memref<4096xf32, #tpu.memory_space<vmem>>
    %dma_wait3A_190 = arith.constant 8192 : i32
    %dma_wait3A_191 = tpu.memref_slice %arg3[%dma_wait3A_190] : memref<16384xf32, #tpu.memory_space<hbm>> -> memref<4096xf32, #tpu.memory_space<hbm>>
    tpu.wait_dma2 semaphore(%dma_wait3A_187 : memref<!tpu.dma_semaphore, #tpu.memory_space<semaphore_mem>>) src(%dma_wait3A_191 : memref<4096xf32, #tpu.memory_space<hbm>>) dst(%dma_wait3A_189 : memref<4096xf32, #tpu.memory_space<vmem>>)
    %parallel_loop3A_192 = arith.constant 512 : i32
    %parallel_loop3A_193 = arith.constant 768 : i32
    %parallel_loop3A_194 = arith.constant 1 : i32
    %parallel_loop3A_195 = arith.constant 9.900000e-01 : f32
    scf.for %parallel_loop3A_249 = %parallel_loop3A_192 to %parallel_loop3A_193 step %parallel_loop3A_194  : i32 {
      %parallel_loop3A_250 = arith.constant 16 : i32
      %parallel_loop3A_251 = arith.muli %parallel_loop3A_249, %parallel_loop3A_250 : i32
      %parallel_loop3A_252 = arith.index_cast %parallel_loop3A_251 : i32 to index
      %parallel_loop3A_253 = tpu.vector_load %arg9[%parallel_loop3A_252] {strides = array<i32>} : memref<16384xi32, #tpu.memory_space<vmem>>, vector<16xi32>,
      %parallel_loop3A_254 = vector.broadcast %multiple_of3A : i32 to vector<16xi32>
      %parallel_loop3A_255 = arith.subi %parallel_loop3A_253, %parallel_loop3A_254 : vector<16xi32>
      %parallel_loop3A_256 = arith.constant 0 : i32
      %parallel_loop3A_257 = vector.broadcast %parallel_loop3A_256 : i32 to vector<16xi32>
      %parallel_loop3A_258 = arith.cmpi sge, %parallel_loop3A_255, %parallel_loop3A_257 : vector<16xi32>
      %parallel_loop3A_259 = arith.constant 31256 : i32
      %parallel_loop3A_260 = vector.broadcast %parallel_loop3A_259 : i32 to vector<16xi32>
      %parallel_loop3A_261 = arith.cmpi slt, %parallel_loop3A_255, %parallel_loop3A_260 : vector<16xi32>
      %parallel_loop3A_262 = arith.andi %parallel_loop3A_258, %parallel_loop3A_261 : vector<16xi1>
      %parallel_loop3A_263 = arith.constant 31256 : i32
      %parallel_loop3A_264 = vector.broadcast %parallel_loop3A_263 : i32 to vector<16xi32>
      %parallel_loop3A_265 = arith.select %parallel_loop3A_262, %parallel_loop3A_255, %parallel_loop3A_264 : vector<16xi1>, vector<16xi32>
      %parallel_loop3A_266 = tpu.vector_load_idx %arg16[%parallel_loop3A_265] : memref<31264xf32, #tpu.memory_space<vmem>>[vector<16xi32>], vector<16xf32>,
      %parallel_loop3A_267 = vector.broadcast %parallel_loop3A_195 : f32 to vector<16xf32>
      %parallel_loop3A_268 = arith.mulf %parallel_loop3A_267, %parallel_loop3A_266 : vector<16xf32>
      %parallel_loop3A_269 = arith.index_cast %parallel_loop3A_251 : i32 to index
      %parallel_loop3A_270 = tpu.vector_load %arg10[%parallel_loop3A_269] {strides = array<i32>} : memref<16384xf32, #tpu.memory_space<vmem>>, vector<16xf32>,
      %parallel_loop3A_271 = arith.addf %parallel_loop3A_268, %parallel_loop3A_270 : vector<16xf32>
      %parallel_loop3A_272 = arith.index_cast %parallel_loop3A_251 : i32 to index
      %parallel_loop3A_273 = tpu.vector_load %arg10[%parallel_loop3A_272] {strides = array<i32>} : memref<16384xf32, #tpu.memory_space<vmem>>, vector<16xf32>,
      tpu.vector_store %arg10[%parallel_loop3A_272], %parallel_loop3A_271 {strides = array<i32>} : memref<16384xf32, #tpu.memory_space<vmem>>, vector<16xf32>,
      %parallel_loop3A_274 = arith.index_cast %parallel_loop3A_251 : i32 to index
      %parallel_loop3A_275 = tpu.vector_load %arg11[%parallel_loop3A_274] {strides = array<i32>} : memref<16384xi32, #tpu.memory_space<vmem>>, vector<16xi32>,
      tpu.vector_store %arg11[%parallel_loop3A_274], %parallel_loop3A_265 {strides = array<i32>} : memref<16384xi32, #tpu.memory_space<vmem>>, vector<16xi32>,
    } {sc.loop_unroll_factor = 8 : i64, sc.parallel_access}
    %dma_wait3A_196 = arith.constant 3 : i32
    %dma_wait3A_197 = arith.constant 12288 : i32
    %dma_wait3A_198 = tpu.memref_slice %arg9[%dma_wait3A_197] : memref<16384xi32, #tpu.memory_space<vmem>> -> memref<4096xi32, #tpu.memory_space<vmem>>
    %dma_wait3A_199 = arith.constant 12288 : i32
    %dma_wait3A_200 = tpu.memref_slice %arg2[%dma_wait3A_199] : memref<16384xi32, #tpu.memory_space<hbm>> -> memref<4096xi32, #tpu.memory_space<hbm>>
    %dma_wait3A_201 = tpu.memref_slice %arg21[%dma_wait3A_196] : memref<4x!tpu.dma_semaphore, #tpu.memory_space<semaphore_mem>> -> memref<1x!tpu.dma_semaphore, #tpu.memory_space<semaphore_mem>>
    %dma_wait3A_202 = tpu.memref_squeeze %dma_wait3A_201 : memref<1x!tpu.dma_semaphore, #tpu.memory_space<semaphore_mem>> -> memref<!tpu.dma_semaphore, #tpu.memory_space<semaphore_mem>>
    %dma_wait3A_203 = arith.constant 12288 : i32
    %dma_wait3A_204 = tpu.memref_slice %arg9[%dma_wait3A_203] : memref<16384xi32, #tpu.memory_space<vmem>> -> memref<4096xi32, #tpu.memory_space<vmem>>
    %dma_wait3A_205 = arith.constant 12288 : i32
    %dma_wait3A_206 = tpu.memref_slice %arg2[%dma_wait3A_205] : memref<16384xi32, #tpu.memory_space<hbm>> -> memref<4096xi32, #tpu.memory_space<hbm>>
    tpu.wait_dma2 semaphore(%dma_wait3A_202 : memref<!tpu.dma_semaphore, #tpu.memory_space<semaphore_mem>>) src(%dma_wait3A_206 : memref<4096xi32, #tpu.memory_space<hbm>>) dst(%dma_wait3A_204 : memref<4096xi32, #tpu.memory_space<vmem>>)
    %dma_wait3A_207 = arith.constant 3 : i32
    %dma_wait3A_208 = arith.constant 12288 : i32
    %dma_wait3A_209 = tpu.memref_slice %arg10[%dma_wait3A_208] : memref<16384xf32, #tpu.memory_space<vmem>> -> memref<4096xf32, #tpu.memory_space<vmem>>
    %dma_wait3A_210 = arith.constant 12288 : i32
    %dma_wait3A_211 = tpu.memref_slice %arg3[%dma_wait3A_210] : memref<16384xf32, #tpu.memory_space<hbm>> -> memref<4096xf32, #tpu.memory_space<hbm>>
    %dma_wait3A_212 = tpu.memref_slice %arg21[%dma_wait3A_207] : memref<4x!tpu.dma_semaphore, #tpu.memory_space<semaphore_mem>> -> memref<1x!tpu.dma_semaphore, #tpu.memory_space<semaphore_mem>>
    %dma_wait3A_213 = tpu.memref_squeeze %dma_wait3A_212 : memref<1x!tpu.dma_semaphore, #tpu.memory_space<semaphore_mem>> -> memref<!tpu.dma_semaphore, #tpu.memory_space<semaphore_mem>>
    %dma_wait3A_214 = arith.constant 12288 : i32
    %dma_wait3A_215 = tpu.memref_slice %arg10[%dma_wait3A_214] : memref<16384xf32, #tpu.memory_space<vmem>> -> memref<4096xf32, #tpu.memory_space<vmem>>
    %dma_wait3A_216 = arith.constant 12288 : i32
    %dma_wait3A_217 = tpu.memref_slice %arg3[%dma_wait3A_216] : memref<16384xf32, #tpu.memory_space<hbm>> -> memref<4096xf32, #tpu.memory_space<hbm>>
    tpu.wait_dma2 semaphore(%dma_wait3A_213 : memref<!tpu.dma_semaphore, #tpu.memory_space<semaphore_mem>>) src(%dma_wait3A_217 : memref<4096xf32, #tpu.memory_space<hbm>>) dst(%dma_wait3A_215 : memref<4096xf32, #tpu.memory_space<vmem>>)
    %parallel_loop3A_218 = arith.constant 768 : i32
    %parallel_loop3A_219 = arith.constant 1024 : i32
    %parallel_loop3A_220 = arith.constant 1 : i32
    %parallel_loop3A_221 = arith.constant 9.900000e-01 : f32
    scf.for %parallel_loop3A_249 = %parallel_loop3A_218 to %parallel_loop3A_219 step %parallel_loop3A_220  : i32 {
      %parallel_loop3A_250 = arith.constant 16 : i32
      %parallel_loop3A_251 = arith.muli %parallel_loop3A_249, %parallel_loop3A_250 : i32
      %parallel_loop3A_252 = arith.index_cast %parallel_loop3A_251 : i32 to index
      %parallel_loop3A_253 = tpu.vector_load %arg9[%parallel_loop3A_252] {strides = array<i32>} : memref<16384xi32, #tpu.memory_space<vmem>>, vector<16xi32>,
      %parallel_loop3A_254 = vector.broadcast %multiple_of3A : i32 to vector<16xi32>
      %parallel_loop3A_255 = arith.subi %parallel_loop3A_253, %parallel_loop3A_254 : vector<16xi32>
      %parallel_loop3A_256 = arith.constant 0 : i32
      %parallel_loop3A_257 = vector.broadcast %parallel_loop3A_256 : i32 to vector<16xi32>
      %parallel_loop3A_258 = arith.cmpi sge, %parallel_loop3A_255, %parallel_loop3A_257 : vector<16xi32>
      %parallel_loop3A_259 = arith.constant 31256 : i32
      %parallel_loop3A_260 = vector.broadcast %parallel_loop3A_259 : i32 to vector<16xi32>
      %parallel_loop3A_261 = arith.cmpi slt, %parallel_loop3A_255, %parallel_loop3A_260 : vector<16xi32>
      %parallel_loop3A_262 = arith.andi %parallel_loop3A_258, %parallel_loop3A_261 : vector<16xi1>
      %parallel_loop3A_263 = arith.constant 31256 : i32
      %parallel_loop3A_264 = vector.broadcast %parallel_loop3A_263 : i32 to vector<16xi32>
      %parallel_loop3A_265 = arith.select %parallel_loop3A_262, %parallel_loop3A_255, %parallel_loop3A_264 : vector<16xi1>, vector<16xi32>
      %parallel_loop3A_266 = tpu.vector_load_idx %arg16[%parallel_loop3A_265] : memref<31264xf32, #tpu.memory_space<vmem>>[vector<16xi32>], vector<16xf32>,
      %parallel_loop3A_267 = vector.broadcast %parallel_loop3A_221 : f32 to vector<16xf32>
      %parallel_loop3A_268 = arith.mulf %parallel_loop3A_267, %parallel_loop3A_266 : vector<16xf32>
      %parallel_loop3A_269 = arith.index_cast %parallel_loop3A_251 : i32 to index
      %parallel_loop3A_270 = tpu.vector_load %arg10[%parallel_loop3A_269] {strides = array<i32>} : memref<16384xf32, #tpu.memory_space<vmem>>, vector<16xf32>,
      %parallel_loop3A_271 = arith.addf %parallel_loop3A_268, %parallel_loop3A_270 : vector<16xf32>
      %parallel_loop3A_272 = arith.index_cast %parallel_loop3A_251 : i32 to index
      %parallel_loop3A_273 = tpu.vector_load %arg10[%parallel_loop3A_272] {strides = array<i32>} : memref<16384xf32, #tpu.memory_space<vmem>>, vector<16xf32>,
      tpu.vector_store %arg10[%parallel_loop3A_272], %parallel_loop3A_271 {strides = array<i32>} : memref<16384xf32, #tpu.memory_space<vmem>>, vector<16xf32>,
      %parallel_loop3A_274 = arith.index_cast %parallel_loop3A_251 : i32 to index
      %parallel_loop3A_275 = tpu.vector_load %arg11[%parallel_loop3A_274] {strides = array<i32>} : memref<16384xi32, #tpu.memory_space<vmem>>, vector<16xi32>,
      tpu.vector_store %arg11[%parallel_loop3A_274], %parallel_loop3A_265 {strides = array<i32>} : memref<16384xi32, #tpu.memory_space<vmem>>, vector<16xi32>,
    } {sc.loop_unroll_factor = 8 : i64, sc.parallel_access}
    %scan3A = arith.constant 0 : i32
    %scan3A_222 = arith.constant 0 : i32
    %scan3A_223 = arith.constant 128 : i32
    %scan3A_224 = arith.addi %scan3A_222, %scan3A_223 : i32
    %scan3A_225 = arith.constant 1 : i32
    scf.for %scan3A_249 = %scan3A_222 to %scan3A_224 step %scan3A_225  : i32 {
      %mul3A_250 = arith.constant 128 : i32
      %mul3A_251 = arith.muli %scan3A_249, %mul3A_250 : i32
      %add3A_252 = arith.constant 0 : i32
      %add3A_253 = arith.addi %mul3A_251, %add3A_252 : i32
      %get3A = arith.index_cast %add3A_253 : i32 to index
      %get3A_254 = tpu.vector_load %arg11[%get3A] {strides = array<i32>} : memref<16384xi32, #tpu.memory_space<vmem>>, vector<16xi32>,
      %get3A_255 = arith.index_cast %add3A_253 : i32 to index
      %get3A_256 = tpu.vector_load %arg10[%get3A_255] {strides = array<i32>} : memref<16384xf32, #tpu.memory_space<vmem>>, vector<16xf32>,
      tpu.vector_store_idx %arg16[%get3A_254], %get3A_256 : memref<31264xf32, #tpu.memory_space<vmem>>[vector<16xi32>], vector<16xf32>,
      %add3A_257 = arith.constant 16 : i32
      %add3A_258 = arith.addi %mul3A_251, %add3A_257 : i32
      %get3A_259 = arith.index_cast %add3A_258 : i32 to index
      %get3A_260 = tpu.vector_load %arg11[%get3A_259] {strides = array<i32>} : memref<16384xi32, #tpu.memory_space<vmem>>, vector<16xi32>,
      %get3A_261 = arith.index_cast %add3A_258 : i32 to index
      %get3A_262 = tpu.vector_load %arg10[%get3A_261] {strides = array<i32>} : memref<16384xf32, #tpu.memory_space<vmem>>, vector<16xf32>,
      tpu.vector_store_idx %arg16[%get3A_260], %get3A_262 : memref<31264xf32, #tpu.memory_space<vmem>>[vector<16xi32>], vector<16xf32>,
      %add3A_263 = arith.constant 32 : i32
      %add3A_264 = arith.addi %mul3A_251, %add3A_263 : i32
      %get3A_265 = arith.index_cast %add3A_264 : i32 to index
      %get3A_266 = tpu.vector_load %arg11[%get3A_265] {strides = array<i32>} : memref<16384xi32, #tpu.memory_space<vmem>>, vector<16xi32>,
      %get3A_267 = arith.index_cast %add3A_264 : i32 to index
      %get3A_268 = tpu.vector_load %arg10[%get3A_267] {strides = array<i32>} : memref<16384xf32, #tpu.memory_space<vmem>>, vector<16xf32>,
      tpu.vector_store_idx %arg16[%get3A_266], %get3A_268 : memref<31264xf32, #tpu.memory_space<vmem>>[vector<16xi32>], vector<16xf32>,
      %add3A_269 = arith.constant 48 : i32
      %add3A_270 = arith.addi %mul3A_251, %add3A_269 : i32
      %get3A_271 = arith.index_cast %add3A_270 : i32 to index
      %get3A_272 = tpu.vector_load %arg11[%get3A_271] {strides = array<i32>} : memref<16384xi32, #tpu.memory_space<vmem>>, vector<16xi32>,
      %get3A_273 = arith.index_cast %add3A_270 : i32 to index
      %get3A_274 = tpu.vector_load %arg10[%get3A_273] {strides = array<i32>} : memref<16384xf32, #tpu.memory_space<vmem>>, vector<16xf32>,
      tpu.vector_store_idx %arg16[%get3A_272], %get3A_274 : memref<31264xf32, #tpu.memory_space<vmem>>[vector<16xi32>], vector<16xf32>,
      %add3A_275 = arith.constant 64 : i32
      %add3A_276 = arith.addi %mul3A_251, %add3A_275 : i32
      %get3A_277 = arith.index_cast %add3A_276 : i32 to index
      %get3A_278 = tpu.vector_load %arg11[%get3A_277] {strides = array<i32>} : memref<16384xi32, #tpu.memory_space<vmem>>, vector<16xi32>,
      %get3A_279 = arith.index_cast %add3A_276 : i32 to index
      %get3A_280 = tpu.vector_load %arg10[%get3A_279] {strides = array<i32>} : memref<16384xf32, #tpu.memory_space<vmem>>, vector<16xf32>,
      tpu.vector_store_idx %arg16[%get3A_278], %get3A_280 : memref<31264xf32, #tpu.memory_space<vmem>>[vector<16xi32>], vector<16xf32>,
      %add3A_281 = arith.constant 80 : i32
      %add3A_282 = arith.addi %mul3A_251, %add3A_281 : i32
      %get3A_283 = arith.index_cast %add3A_282 : i32 to index
      %get3A_284 = tpu.vector_load %arg11[%get3A_283] {strides = array<i32>} : memref<16384xi32, #tpu.memory_space<vmem>>, vector<16xi32>,
      %get3A_285 = arith.index_cast %add3A_282 : i32 to index
      %get3A_286 = tpu.vector_load %arg10[%get3A_285] {strides = array<i32>} : memref<16384xf32, #tpu.memory_space<vmem>>, vector<16xf32>,
      tpu.vector_store_idx %arg16[%get3A_284], %get3A_286 : memref<31264xf32, #tpu.memory_space<vmem>>[vector<16xi32>], vector<16xf32>,
      %add3A_287 = arith.constant 96 : i32
      %add3A_288 = arith.addi %mul3A_251, %add3A_287 : i32
      %get3A_289 = arith.index_cast %add3A_288 : i32 to index
      %get3A_290 = tpu.vector_load %arg11[%get3A_289] {strides = array<i32>} : memref<16384xi32, #tpu.memory_space<vmem>>, vector<16xi32>,
      %get3A_291 = arith.index_cast %add3A_288 : i32 to index
      %get3A_292 = tpu.vector_load %arg10[%get3A_291] {strides = array<i32>} : memref<16384xf32, #tpu.memory_space<vmem>>, vector<16xf32>,
      tpu.vector_store_idx %arg16[%get3A_290], %get3A_292 : memref<31264xf32, #tpu.memory_space<vmem>>[vector<16xi32>], vector<16xf32>,
      %add3A_293 = arith.constant 112 : i32
      %add3A_294 = arith.addi %mul3A_251, %add3A_293 : i32
      %get3A_295 = arith.index_cast %add3A_294 : i32 to index
      %get3A_296 = tpu.vector_load %arg11[%get3A_295] {strides = array<i32>} : memref<16384xi32, #tpu.memory_space<vmem>>, vector<16xi32>,
      %get3A_297 = arith.index_cast %add3A_294 : i32 to index
      %get3A_298 = tpu.vector_load %arg10[%get3A_297] {strides = array<i32>} : memref<16384xf32, #tpu.memory_space<vmem>>, vector<16xf32>,
      tpu.vector_store_idx %arg16[%get3A_296], %get3A_298 : memref<31264xf32, #tpu.memory_space<vmem>>[vector<16xi32>], vector<16xf32>,
    }
    %scan3A_226 = arith.constant 128 : i32
    %dma_start3A_227 = arith.constant 0 : i32
    %dma_start3A_228 = tpu.memref_slice %arg16[%dma_start3A_227] : memref<31264xf32, #tpu.memory_space<vmem>> -> memref<31256xf32, #tpu.memory_space<vmem>>
    %dma_start3A_229 = tpu.memref_slice %arg7[%multiple_of3A] : memref<1000000xf32, #tpu.memory_space<hbm>> -> memref<31256xf32, #tpu.memory_space<hbm>>
    %dma_start3A_230 = tpu.memref_slice %arg7[%multiple_of3A] : memref<1000000xf32, #tpu.memory_space<hbm>> -> memref<31256xf32, #tpu.memory_space<hbm>>
    %dma_start3A_231 = arith.constant 0 : i32
    %dma_start3A_232 = tpu.memref_slice %arg16[%dma_start3A_231] : memref<31264xf32, #tpu.memory_space<vmem>> -> memref<31256xf32, #tpu.memory_space<vmem>>
    tpu.enqueue_dma source(%dma_start3A_232 : memref<31256xf32, #tpu.memory_space<vmem>>) target(%dma_start3A_230 : memref<31256xf32, #tpu.memory_space<hbm>>) target_semaphore(%arg18 : memref<!tpu.dma_semaphore, #tpu.memory_space<semaphore_mem>>)
    %dma_wait3A_233 = arith.constant 0 : i32
    %dma_wait3A_234 = tpu.memref_slice %arg6[%dma_wait3A_233] : memref<1000000xf32, #tpu.memory_space<hbm>> -> memref<1000000xf32, #tpu.memory_space<hbm>>
    tpu.wait_indirect_dma semaphore(%arg19 : memref<!tpu.dma_semaphore, #tpu.memory_space<semaphore_mem>>) src(%dma_wait3A_234 : memref<1000000xf32, #tpu.memory_space<hbm>>) dst(%arg13 : memref<512xf32, #tpu.memory_space<vmem>>)
    %scan3A_235 = arith.constant 9.99999995E+11 : f32
    %scan3A_236 = arith.constant 0 : i32
    %scan3A_237 = arith.constant 32 : i32
    %scan3A_238 = arith.addi %scan3A_236, %scan3A_237 : i32
    %scan3A_239 = arith.constant 1 : i32
    %scan3A_240 = scf.for %scan3A_249 = %scan3A_236 to %scan3A_238 step %scan3A_239 iter_args(%scan3A_250 = %broadcast_in_dim3A_118) -> (vector<16xf32>)  : i32 {
      %mul3A_251 = arith.constant 16 : i32
      %mul3A_252 = arith.muli %scan3A_249, %mul3A_251 : i32
      %get3A = arith.index_cast %mul3A_252 : i32 to index
      %get3A_253 = tpu.vector_load %arg14[%get3A] {strides = array<i32>} : memref<512xf32, #tpu.memory_space<vmem>>, vector<16xf32>,
      %get3A_254 = arith.index_cast %mul3A_252 : i32 to index
      %get3A_255 = tpu.vector_load %arg13[%get3A_254] {strides = array<i32>} : memref<512xf32, #tpu.memory_space<vmem>>, vector<16xf32>,
      %div3A = vector.broadcast %scan3A_235 : f32 to vector<16xf32>
      %div3A_256 = arith.divf %get3A_255, %div3A : vector<16xf32>
      %div3A_257 = arith.divf %get3A_253, %div3A_256 : vector<16xf32>
      %add3A_258 = arith.addf %scan3A_250, %div3A_257 : vector<16xf32>
      %get3A_259 = arith.index_cast %mul3A_252 : i32 to index
      %get3A_260 = tpu.vector_load %arg15[%get3A_259] {strides = array<i32>} : memref<512xf32, #tpu.memory_space<vmem>>, vector<16xf32>,
      %add3A_261 = arith.addf %add3A_258, %get3A_260 : vector<16xf32>
      scf.yield %add3A_261 : vector<16xf32>
    }
    %scan3A_241 = arith.constant 32 : i32
    %swap3A = arith.constant 0 : index
    %swap3A_242 = tpu.vector_load %arg17[%swap3A] {strides = array<i32>} : memref<16xf32, #tpu.memory_space<vmem>>, vector<16xf32>,
    tpu.vector_store %arg17[%swap3A], %scan3A_240 {strides = array<i32>} : memref<16xf32, #tpu.memory_space<vmem>>, vector<16xf32>,
    "tpu.region"() ({
      %run_scoped3A = tpu.sem_alloc : memref<!tpu.dma_semaphore, #tpu.memory_space<semaphore_mem>>
      %dma_start3A_249 = arith.constant 0 : i32
      %dma_start3A_250 = tpu.memref_slice %arg8[%add3A, %dma_start3A_249] : memref<32x16xf32, #tpu.memory_space<hbm>> -> memref<1x16xf32, #tpu.memory_space<hbm>>
      %dma_start3A_251 = tpu.memref_squeeze %dma_start3A_250 : memref<1x16xf32, #tpu.memory_space<hbm>> -> memref<16xf32, #tpu.memory_space<hbm>>
      %dma_start3A_252 = arith.constant 0 : i32
      %dma_start3A_253 = tpu.memref_slice %arg8[%add3A, %dma_start3A_252] : memref<32x16xf32, #tpu.memory_space<hbm>> -> memref<1x16xf32, #tpu.memory_space<hbm>>
      %dma_start3A_254 = tpu.memref_squeeze %dma_start3A_253 : memref<1x16xf32, #tpu.memory_space<hbm>> -> memref<16xf32, #tpu.memory_space<hbm>>
      tpu.enqueue_dma source(%arg17 : memref<16xf32, #tpu.memory_space<vmem>>) target(%dma_start3A_254 : memref<16xf32, #tpu.memory_space<hbm>>) target_semaphore(%run_scoped3A : memref<!tpu.dma_semaphore, #tpu.memory_space<semaphore_mem>>)
      %dma_wait3A_255 = arith.constant 0 : i32
      %dma_wait3A_256 = tpu.memref_slice %arg8[%add3A, %dma_wait3A_255] : memref<32x16xf32, #tpu.memory_space<hbm>> -> memref<1x16xf32, #tpu.memory_space<hbm>>
      %dma_wait3A_257 = tpu.memref_squeeze %dma_wait3A_256 : memref<1x16xf32, #tpu.memory_space<hbm>> -> memref<16xf32, #tpu.memory_space<hbm>>
      %dma_wait3A_258 = arith.constant 0 : i32
      %dma_wait3A_259 = tpu.memref_slice %arg8[%add3A, %dma_wait3A_258] : memref<32x16xf32, #tpu.memory_space<hbm>> -> memref<1x16xf32, #tpu.memory_space<hbm>>
      %dma_wait3A_260 = tpu.memref_squeeze %dma_wait3A_259 : memref<1x16xf32, #tpu.memory_space<hbm>> -> memref<16xf32, #tpu.memory_space<hbm>>
      tpu.wait_dma2 semaphore(%run_scoped3A : memref<!tpu.dma_semaphore, #tpu.memory_space<semaphore_mem>>) src(%arg17 : memref<16xf32, #tpu.memory_space<vmem>>) dst(%dma_wait3A_260 : memref<16xf32, #tpu.memory_space<hbm>>)
      tpu.yield
    }) : () -> ()
    %dma_wait3A_243 = arith.constant 0 : i32
    %dma_wait3A_244 = tpu.memref_slice %arg16[%dma_wait3A_243] : memref<31264xf32, #tpu.memory_space<vmem>> -> memref<31256xf32, #tpu.memory_space<vmem>>
    %dma_wait3A_245 = tpu.memref_slice %arg7[%multiple_of3A] : memref<1000000xf32, #tpu.memory_space<hbm>> -> memref<31256xf32, #tpu.memory_space<hbm>>
    %dma_wait3A_246 = tpu.memref_slice %arg7[%multiple_of3A] : memref<1000000xf32, #tpu.memory_space<hbm>> -> memref<31256xf32, #tpu.memory_space<hbm>>
    %dma_wait3A_247 = arith.constant 0 : i32
    %dma_wait3A_248 = tpu.memref_slice %arg16[%dma_wait3A_247] : memref<31264xf32, #tpu.memory_space<vmem>> -> memref<31256xf32, #tpu.memory_space<vmem>>
    tpu.wait_dma2 semaphore(%arg18 : memref<!tpu.dma_semaphore, #tpu.memory_space<semaphore_mem>>) src(%dma_wait3A_248 : memref<31256xf32, #tpu.memory_space<vmem>>) dst(%dma_wait3A_246 : memref<31256xf32, #tpu.memory_space<hbm>>)
    return
  }
}

module attributes {stable_mosaic.version = 14 : i64} {
  func.func @_tc_body(%arg0: i32, %arg1: memref<4096x128xf32, #tpu.memory_space<vmem>>, %arg2: memref<4096x128xf32, #tpu.memory_space<vmem>>, %arg3: memref<8x128xf32, #tpu.memory_space<vmem>>, %arg4: memref<8x128xf32, #tpu.memory_space<vmem>>, %arg5: memref<4096xf32, #tpu.memory_space<vmem>>, %arg6: memref<4096xf32, #tpu.memory_space<vmem>>, %arg7: memref<4096xf32, #tpu.memory_space<vmem>>) attributes {dimension_semantics = [#tpu.dimension_semantics<arbitrary>], iteration_bounds = array<i64: 4>, scalar_prefetch = 0 : i64, scratch_operands = 0 : i64, tpu.core_type = #tpu.core_type<tc>, window_params = [{transform_indices = @transform_0, window_bounds = array<i64: 4096, 128>}, {transform_indices = @transform_1, window_bounds = array<i64: 4096, 128>}, {transform_indices = @transform_2, window_bounds = array<i64: 8, 128>}, {transform_indices = @transform_3, window_bounds = array<i64: 8, 128>}, {transform_indices = @transform_4, window_bounds = array<i64: 4096>}, {transform_indices = @transform_5, window_bounds = array<i64: 4096>}, {transform_indices = @transform_6, window_bounds = array<i64: 4096>}]} {
    %broadcast_in_dim3A = arith.constant 1.000000e+00 : f32
    %broadcast_in_dim3A_0 = vector.broadcast %broadcast_in_dim3A : f32 to vector<1x128xf32>
    %get3A = arith.constant 0 : index
    %get3A_1 = arith.constant 0 : index
    %get3A_2 = vector.load %arg1[%get3A, %get3A_1] : memref<4096x128xf32, #tpu.memory_space<vmem>>, vector<4096x128xf32>
    %get3A_3 = arith.constant 0 : index
    %get3A_4 = arith.constant 0 : index
    %get3A_5 = vector.load %arg2[%get3A_3, %get3A_4] : memref<4096x128xf32, #tpu.memory_space<vmem>>, vector<4096x128xf32>
    %iota3A = tpu.iota {dimensions = array<i32: 0>} : vector<4096x128xi32>
    %eq3A = arith.constant 4095 : i32
    %eq3A_6 = vector.broadcast %eq3A : i32 to vector<4096x128xi32>
    %eq3A_7 = arith.cmpi eq, %iota3A, %eq3A_6 : vector<4096x128xi32>
    %get3A_8 = arith.constant 0 : index
    %get3A_9 = arith.constant 0 : index
    %get3A_10 = vector.load %arg3[%get3A_8, %get3A_9] : memref<8x128xf32, #tpu.memory_space<vmem>>, vector<1x128xf32>
    %roll3A = arith.constant 4095 : i32
    %roll3A_11 = tpu.dynamic_rotate %get3A_2 by %roll3A dim 0 : vector<4096x128xf32>, i32 -> vector<4096x128xf32>
    %broadcast_in_dim3A_12 = vector.shape_cast %get3A_10 : vector<1x128xf32> to vector<1x128xf32>
    %broadcast_in_dim3A_13 = vector.broadcast %broadcast_in_dim3A_12 : vector<1x128xf32> to vector<4096x128xf32>
    %select_n3A = arith.select %eq3A_7, %broadcast_in_dim3A_13, %roll3A_11 : vector<4096x128xi1>, vector<4096x128xf32>
    %get3A_14 = arith.constant 0 : index
    %get3A_15 = arith.constant 0 : index
    %get3A_16 = vector.load %arg4[%get3A_14, %get3A_15] : memref<8x128xf32, #tpu.memory_space<vmem>>, vector<1x128xf32>
    %roll3A_17 = arith.constant 4095 : i32
    %roll3A_18 = tpu.dynamic_rotate %get3A_5 by %roll3A_17 dim 0 : vector<4096x128xf32>, i32 -> vector<4096x128xf32>
    %broadcast_in_dim3A_19 = vector.shape_cast %get3A_16 : vector<1x128xf32> to vector<1x128xf32>
    %broadcast_in_dim3A_20 = vector.broadcast %broadcast_in_dim3A_19 : vector<1x128xf32> to vector<4096x128xf32>
    %select_n3A_21 = arith.select %eq3A_7, %broadcast_in_dim3A_20, %roll3A_18 : vector<4096x128xi1>, vector<4096x128xf32>
    %mul3A = arith.mulf %get3A_2, %get3A_2 : vector<4096x128xf32>
    %dot_general3A = arith.constant dense<0.000000e+00> : vector<1x4096xf32>
    %dot_general3A_22 = tpu.matmul %broadcast_in_dim3A_0, %mul3A, %dot_general3A {dimension_numbers = #tpu.dot_dimension_numbers<[1], [1], [0], [0], [0, 0, 1, 0], [], []>, transpose_lhs_hint = false} : vector<1x128xf32>, vector<4096x128xf32>, vector<1x4096xf32> -> vector<1x4096xf32>
    %mul3A_23 = arith.mulf %get3A_5, %get3A_5 : vector<4096x128xf32>
    %dot_general3A_24 = arith.constant dense<0.000000e+00> : vector<1x4096xf32>
    %dot_general3A_25 = tpu.matmul %broadcast_in_dim3A_0, %mul3A_23, %dot_general3A_24 {dimension_numbers = #tpu.dot_dimension_numbers<[1], [1], [0], [0], [0, 0, 1, 0], [], []>, transpose_lhs_hint = false} : vector<1x128xf32>, vector<4096x128xf32>, vector<1x4096xf32> -> vector<1x4096xf32>
    %mul3A_26 = arith.mulf %select_n3A, %select_n3A : vector<4096x128xf32>
    %dot_general3A_27 = arith.constant dense<0.000000e+00> : vector<1x4096xf32>
    %dot_general3A_28 = tpu.matmul %broadcast_in_dim3A_0, %mul3A_26, %dot_general3A_27 {dimension_numbers = #tpu.dot_dimension_numbers<[1], [1], [0], [0], [0, 0, 1, 0], [], []>, transpose_lhs_hint = false} : vector<1x128xf32>, vector<4096x128xf32>, vector<1x4096xf32> -> vector<1x4096xf32>
    %mul3A_29 = arith.mulf %select_n3A_21, %select_n3A_21 : vector<4096x128xf32>
    %dot_general3A_30 = arith.constant dense<0.000000e+00> : vector<1x4096xf32>
    %dot_general3A_31 = tpu.matmul %broadcast_in_dim3A_0, %mul3A_29, %dot_general3A_30 {dimension_numbers = #tpu.dot_dimension_numbers<[1], [1], [0], [0], [0, 0, 1, 0], [], []>, transpose_lhs_hint = false} : vector<1x128xf32>, vector<4096x128xf32>, vector<1x4096xf32> -> vector<1x4096xf32>
    %dot_general3A_32 = arith.constant dense<0.000000e+00> : vector<1x4096xf32>
    %dot_general3A_33 = tpu.matmul %broadcast_in_dim3A_0, %get3A_2, %dot_general3A_32 {dimension_numbers = #tpu.dot_dimension_numbers<[1], [1], [0], [0], [0, 0, 1, 0], [], []>, transpose_lhs_hint = false} : vector<1x128xf32>, vector<4096x128xf32>, vector<1x4096xf32> -> vector<1x4096xf32>
    %dot_general3A_34 = arith.constant dense<0.000000e+00> : vector<1x4096xf32>
    %dot_general3A_35 = tpu.matmul %broadcast_in_dim3A_0, %get3A_5, %dot_general3A_34 {dimension_numbers = #tpu.dot_dimension_numbers<[1], [1], [0], [0], [0, 0, 1, 0], [], []>, transpose_lhs_hint = false} : vector<1x128xf32>, vector<4096x128xf32>, vector<1x4096xf32> -> vector<1x4096xf32>
    %dot_general3A_36 = arith.constant dense<0.000000e+00> : vector<1x4096xf32>
    %dot_general3A_37 = tpu.matmul %broadcast_in_dim3A_0, %select_n3A, %dot_general3A_36 {dimension_numbers = #tpu.dot_dimension_numbers<[1], [1], [0], [0], [0, 0, 1, 0], [], []>, transpose_lhs_hint = false} : vector<1x128xf32>, vector<4096x128xf32>, vector<1x4096xf32> -> vector<1x4096xf32>
    %dot_general3A_38 = arith.constant dense<0.000000e+00> : vector<1x4096xf32>
    %dot_general3A_39 = tpu.matmul %broadcast_in_dim3A_0, %select_n3A_21, %dot_general3A_38 {dimension_numbers = #tpu.dot_dimension_numbers<[1], [1], [0], [0], [0, 0, 1, 0], [], []>, transpose_lhs_hint = false} : vector<1x128xf32>, vector<4096x128xf32>, vector<1x4096xf32> -> vector<1x4096xf32>
    %mul3A_40 = arith.mulf %get3A_2, %get3A_5 : vector<4096x128xf32>
    %dot_general3A_41 = arith.constant dense<0.000000e+00> : vector<1x4096xf32>
    %dot_general3A_42 = tpu.matmul %broadcast_in_dim3A_0, %mul3A_40, %dot_general3A_41 {dimension_numbers = #tpu.dot_dimension_numbers<[1], [1], [0], [0], [0, 0, 1, 0], [], []>, transpose_lhs_hint = false} : vector<1x128xf32>, vector<4096x128xf32>, vector<1x4096xf32> -> vector<1x4096xf32>
    %mul3A_43 = arith.mulf %get3A_2, %select_n3A_21 : vector<4096x128xf32>
    %dot_general3A_44 = arith.constant dense<0.000000e+00> : vector<1x4096xf32>
    %dot_general3A_45 = tpu.matmul %broadcast_in_dim3A_0, %mul3A_43, %dot_general3A_44 {dimension_numbers = #tpu.dot_dimension_numbers<[1], [1], [0], [0], [0, 0, 1, 0], [], []>, transpose_lhs_hint = false} : vector<1x128xf32>, vector<4096x128xf32>, vector<1x4096xf32> -> vector<1x4096xf32>
    %mul3A_46 = arith.mulf %get3A_5, %select_n3A : vector<4096x128xf32>
    %dot_general3A_47 = arith.constant dense<0.000000e+00> : vector<1x4096xf32>
    %dot_general3A_48 = tpu.matmul %broadcast_in_dim3A_0, %mul3A_46, %dot_general3A_47 {dimension_numbers = #tpu.dot_dimension_numbers<[1], [1], [0], [0], [0, 0, 1, 0], [], []>, transpose_lhs_hint = false} : vector<1x128xf32>, vector<4096x128xf32>, vector<1x4096xf32> -> vector<1x4096xf32>
    %sqrt3A = math.sqrt %dot_general3A_22 : vector<1x4096xf32>
    %max3A = arith.constant 9.99999996E-13 : f32
    %max3A_49 = vector.broadcast %max3A : f32 to vector<1x4096xf32>
    %max3A_50 = arith.maximumf %sqrt3A, %max3A_49 : vector<1x4096xf32>
    %div3A = arith.constant 1.000000e+00 : f32
    %div3A_51 = vector.broadcast %div3A : f32 to vector<1x4096xf32>
    %div3A_52 = arith.divf %div3A_51, %max3A_50 : vector<1x4096xf32>
    %sqrt3A_53 = math.sqrt %dot_general3A_25 : vector<1x4096xf32>
    %max3A_54 = arith.constant 9.99999996E-13 : f32
    %max3A_55 = vector.broadcast %max3A_54 : f32 to vector<1x4096xf32>
    %max3A_56 = arith.maximumf %sqrt3A_53, %max3A_55 : vector<1x4096xf32>
    %div3A_57 = arith.constant 1.000000e+00 : f32
    %div3A_58 = vector.broadcast %div3A_57 : f32 to vector<1x4096xf32>
    %div3A_59 = arith.divf %div3A_58, %max3A_56 : vector<1x4096xf32>
    %sqrt3A_60 = math.sqrt %dot_general3A_28 : vector<1x4096xf32>
    %max3A_61 = arith.constant 9.99999996E-13 : f32
    %max3A_62 = vector.broadcast %max3A_61 : f32 to vector<1x4096xf32>
    %max3A_63 = arith.maximumf %sqrt3A_60, %max3A_62 : vector<1x4096xf32>
    %div3A_64 = arith.constant 1.000000e+00 : f32
    %div3A_65 = vector.broadcast %div3A_64 : f32 to vector<1x4096xf32>
    %div3A_66 = arith.divf %div3A_65, %max3A_63 : vector<1x4096xf32>
    %sqrt3A_67 = math.sqrt %dot_general3A_31 : vector<1x4096xf32>
    %max3A_68 = arith.constant 9.99999996E-13 : f32
    %max3A_69 = vector.broadcast %max3A_68 : f32 to vector<1x4096xf32>
    %max3A_70 = arith.maximumf %sqrt3A_67, %max3A_69 : vector<1x4096xf32>
    %div3A_71 = arith.constant 1.000000e+00 : f32
    %div3A_72 = vector.broadcast %div3A_71 : f32 to vector<1x4096xf32>
    %div3A_73 = arith.divf %div3A_72, %max3A_70 : vector<1x4096xf32>
    %mul3A_74 = arith.mulf %dot_general3A_22, %div3A_52 : vector<1x4096xf32>
    %mul3A_75 = arith.mulf %mul3A_74, %div3A_52 : vector<1x4096xf32>
    %mul3A_76 = arith.mulf %dot_general3A_25, %div3A_59 : vector<1x4096xf32>
    %mul3A_77 = arith.mulf %mul3A_76, %div3A_59 : vector<1x4096xf32>
    %mul3A_78 = arith.mulf %dot_general3A_28, %div3A_66 : vector<1x4096xf32>
    %mul3A_79 = arith.mulf %mul3A_78, %div3A_66 : vector<1x4096xf32>
    %mul3A_80 = arith.mulf %dot_general3A_31, %div3A_73 : vector<1x4096xf32>
    %mul3A_81 = arith.mulf %mul3A_80, %div3A_73 : vector<1x4096xf32>
    %mul3A_82 = arith.mulf %dot_general3A_33, %div3A_52 : vector<1x4096xf32>
    %mul3A_83 = arith.constant 9.99999997E-7 : f32
    %mul3A_84 = vector.broadcast %mul3A_83 : f32 to vector<1x4096xf32>
    %mul3A_85 = arith.mulf %mul3A_84, %mul3A_82 : vector<1x4096xf32>
    %mul3A_86 = arith.mulf %dot_general3A_35, %div3A_59 : vector<1x4096xf32>
    %mul3A_87 = arith.constant 9.99999997E-7 : f32
    %mul3A_88 = vector.broadcast %mul3A_87 : f32 to vector<1x4096xf32>
    %mul3A_89 = arith.mulf %mul3A_88, %mul3A_86 : vector<1x4096xf32>
    %mul3A_90 = arith.mulf %dot_general3A_37, %div3A_66 : vector<1x4096xf32>
    %mul3A_91 = arith.constant 9.99999997E-7 : f32
    %mul3A_92 = vector.broadcast %mul3A_91 : f32 to vector<1x4096xf32>
    %mul3A_93 = arith.mulf %mul3A_92, %mul3A_90 : vector<1x4096xf32>
    %mul3A_94 = arith.mulf %dot_general3A_39, %div3A_73 : vector<1x4096xf32>
    %mul3A_95 = arith.constant 9.99999997E-7 : f32
    %mul3A_96 = vector.broadcast %mul3A_95 : f32 to vector<1x4096xf32>
    %mul3A_97 = arith.mulf %mul3A_96, %mul3A_94 : vector<1x4096xf32>
    %add3A = arith.addf %mul3A_75, %mul3A_77 : vector<1x4096xf32>
    %add3A_98 = arith.constant 1.280000e-10 : f32
    %add3A_99 = vector.broadcast %add3A_98 : f32 to vector<1x4096xf32>
    %add3A_100 = arith.addf %add3A, %add3A_99 : vector<1x4096xf32>
    %mul3A_101 = arith.mulf %dot_general3A_42, %div3A_52 : vector<1x4096xf32>
    %mul3A_102 = arith.mulf %mul3A_101, %div3A_59 : vector<1x4096xf32>
    %mul3A_103 = arith.constant 2.000000e+00 : f32
    %mul3A_104 = vector.broadcast %mul3A_103 : f32 to vector<1x4096xf32>
    %mul3A_105 = arith.mulf %mul3A_104, %mul3A_102 : vector<1x4096xf32>
    %sub3A = arith.subf %add3A_100, %mul3A_105 : vector<1x4096xf32>
    %sub3A_106 = arith.subf %mul3A_85, %mul3A_89 : vector<1x4096xf32>
    %mul3A_107 = arith.constant 2.000000e+00 : f32
    %mul3A_108 = vector.broadcast %mul3A_107 : f32 to vector<1x4096xf32>
    %mul3A_109 = arith.mulf %mul3A_108, %sub3A_106 : vector<1x4096xf32>
    %add3A_110 = arith.addf %sub3A, %mul3A_109 : vector<1x4096xf32>
    %add3A_111 = arith.addf %mul3A_75, %mul3A_77 : vector<1x4096xf32>
    %add3A_112 = arith.constant 1.280000e-10 : f32
    %add3A_113 = vector.broadcast %add3A_112 : f32 to vector<1x4096xf32>
    %add3A_114 = arith.addf %add3A_111, %add3A_113 : vector<1x4096xf32>
    %mul3A_115 = arith.mulf %dot_general3A_42, %div3A_52 : vector<1x4096xf32>
    %mul3A_116 = arith.mulf %mul3A_115, %div3A_59 : vector<1x4096xf32>
    %mul3A_117 = arith.constant 2.000000e+00 : f32
    %mul3A_118 = vector.broadcast %mul3A_117 : f32 to vector<1x4096xf32>
    %mul3A_119 = arith.mulf %mul3A_118, %mul3A_116 : vector<1x4096xf32>
    %sub3A_120 = arith.subf %add3A_114, %mul3A_119 : vector<1x4096xf32>
    %sub3A_121 = arith.subf %mul3A_89, %mul3A_85 : vector<1x4096xf32>
    %mul3A_122 = arith.constant 2.000000e+00 : f32
    %mul3A_123 = vector.broadcast %mul3A_122 : f32 to vector<1x4096xf32>
    %mul3A_124 = arith.mulf %mul3A_123, %sub3A_121 : vector<1x4096xf32>
    %add3A_125 = arith.addf %sub3A_120, %mul3A_124 : vector<1x4096xf32>
    %add3A_126 = arith.addf %mul3A_75, %mul3A_81 : vector<1x4096xf32>
    %add3A_127 = arith.constant 1.280000e-10 : f32
    %add3A_128 = vector.broadcast %add3A_127 : f32 to vector<1x4096xf32>
    %add3A_129 = arith.addf %add3A_126, %add3A_128 : vector<1x4096xf32>
    %mul3A_130 = arith.mulf %dot_general3A_45, %div3A_52 : vector<1x4096xf32>
    %mul3A_131 = arith.mulf %mul3A_130, %div3A_73 : vector<1x4096xf32>
    %mul3A_132 = arith.constant 2.000000e+00 : f32
    %mul3A_133 = vector.broadcast %mul3A_132 : f32 to vector<1x4096xf32>
    %mul3A_134 = arith.mulf %mul3A_133, %mul3A_131 : vector<1x4096xf32>
    %sub3A_135 = arith.subf %add3A_129, %mul3A_134 : vector<1x4096xf32>
    %sub3A_136 = arith.subf %mul3A_85, %mul3A_97 : vector<1x4096xf32>
    %mul3A_137 = arith.constant 2.000000e+00 : f32
    %mul3A_138 = vector.broadcast %mul3A_137 : f32 to vector<1x4096xf32>
    %mul3A_139 = arith.mulf %mul3A_138, %sub3A_136 : vector<1x4096xf32>
    %add3A_140 = arith.addf %sub3A_135, %mul3A_139 : vector<1x4096xf32>
    %add3A_141 = arith.addf %mul3A_77, %mul3A_79 : vector<1x4096xf32>
    %add3A_142 = arith.constant 1.280000e-10 : f32
    %add3A_143 = vector.broadcast %add3A_142 : f32 to vector<1x4096xf32>
    %add3A_144 = arith.addf %add3A_141, %add3A_143 : vector<1x4096xf32>
    %mul3A_145 = arith.mulf %dot_general3A_48, %div3A_59 : vector<1x4096xf32>
    %mul3A_146 = arith.mulf %mul3A_145, %div3A_66 : vector<1x4096xf32>
    %mul3A_147 = arith.constant 2.000000e+00 : f32
    %mul3A_148 = vector.broadcast %mul3A_147 : f32 to vector<1x4096xf32>
    %mul3A_149 = arith.mulf %mul3A_148, %mul3A_146 : vector<1x4096xf32>
    %sub3A_150 = arith.subf %add3A_144, %mul3A_149 : vector<1x4096xf32>
    %sub3A_151 = arith.subf %mul3A_89, %mul3A_93 : vector<1x4096xf32>
    %mul3A_152 = arith.constant 2.000000e+00 : f32
    %mul3A_153 = vector.broadcast %mul3A_152 : f32 to vector<1x4096xf32>
    %mul3A_154 = arith.mulf %mul3A_153, %sub3A_151 : vector<1x4096xf32>
    %add3A_155 = arith.addf %sub3A_150, %mul3A_154 : vector<1x4096xf32>
    %neg3A = arith.constant 0.000000e+00 : f32
    %neg3A_156 = vector.broadcast %neg3A : f32 to vector<1x4096xf32>
    %neg3A_157 = arith.subf %neg3A_156, %add3A_110 : vector<1x4096xf32>
    %div3A_158 = arith.constant 5.000000e-01 : f32
    %div3A_159 = vector.broadcast %div3A_158 : f32 to vector<1x4096xf32>
    %div3A_160 = arith.divf %neg3A_157, %div3A_159 : vector<1x4096xf32>
    %exp3A = math.exp %div3A_160 : vector<1x4096xf32>
    %neg3A_161 = arith.constant 0.000000e+00 : f32
    %neg3A_162 = vector.broadcast %neg3A_161 : f32 to vector<1x4096xf32>
    %neg3A_163 = arith.subf %neg3A_162, %add3A_125 : vector<1x4096xf32>
    %div3A_164 = arith.constant 5.000000e-01 : f32
    %div3A_165 = vector.broadcast %div3A_164 : f32 to vector<1x4096xf32>
    %div3A_166 = arith.divf %neg3A_163, %div3A_165 : vector<1x4096xf32>
    %exp3A_167 = math.exp %div3A_166 : vector<1x4096xf32>
    %neg3A_168 = arith.constant 0.000000e+00 : f32
    %neg3A_169 = vector.broadcast %neg3A_168 : f32 to vector<1x4096xf32>
    %neg3A_170 = arith.subf %neg3A_169, %add3A_140 : vector<1x4096xf32>
    %div3A_171 = arith.constant 5.000000e-01 : f32
    %div3A_172 = vector.broadcast %div3A_171 : f32 to vector<1x4096xf32>
    %div3A_173 = arith.divf %neg3A_170, %div3A_172 : vector<1x4096xf32>
    %exp3A_174 = math.exp %div3A_173 : vector<1x4096xf32>
    %neg3A_175 = arith.constant 0.000000e+00 : f32
    %neg3A_176 = vector.broadcast %neg3A_175 : f32 to vector<1x4096xf32>
    %neg3A_177 = arith.subf %neg3A_176, %add3A_155 : vector<1x4096xf32>
    %div3A_178 = arith.constant 5.000000e-01 : f32
    %div3A_179 = vector.broadcast %div3A_178 : f32 to vector<1x4096xf32>
    %div3A_180 = arith.divf %neg3A_177, %div3A_179 : vector<1x4096xf32>
    %exp3A_181 = math.exp %div3A_180 : vector<1x4096xf32>
    %add3A_182 = arith.addf %exp3A, %exp3A_167 : vector<1x4096xf32>
    %add3A_183 = arith.addf %add3A_182, %exp3A_174 : vector<1x4096xf32>
    %add3A_184 = arith.addf %add3A_183, %exp3A_181 : vector<1x4096xf32>
    %mul3A_185 = arith.constant 2.500000e+09 : f32
    %mul3A_186 = vector.broadcast %mul3A_185 : f32 to vector<1x4096xf32>
    %mul3A_187 = arith.mulf %mul3A_186, %add3A_184 : vector<1x4096xf32>
    %reshape3A = vector.shape_cast %mul3A_187 : vector<1x4096xf32> to vector<4096xf32>
    %swap3A = arith.constant 0 : index
    %swap3A_188 = vector.load %arg5[%swap3A] : memref<4096xf32, #tpu.memory_space<vmem>>, vector<4096xf32>
    tpu.vector_store %arg5[%swap3A], %reshape3A {strides = array<i32>} : memref<4096xf32, #tpu.memory_space<vmem>>, vector<4096xf32>,
    %add3A_189 = arith.addf %exp3A_174, %exp3A_181 : vector<1x4096xf32>
    %reshape3A_190 = vector.shape_cast %add3A_189 : vector<1x4096xf32> to vector<4096xf32>
    %swap3A_191 = arith.constant 0 : index
    %swap3A_192 = vector.load %arg6[%swap3A_191] : memref<4096xf32, #tpu.memory_space<vmem>>, vector<4096xf32>
    tpu.vector_store %arg6[%swap3A_191], %reshape3A_190 {strides = array<i32>} : memref<4096xf32, #tpu.memory_space<vmem>>, vector<4096xf32>,
    %add3A_193 = arith.addf %add3A_110, %add3A_125 : vector<1x4096xf32>
    %div3A_194 = arith.constant 5.000000e-01 : f32
    %div3A_195 = vector.broadcast %div3A_194 : f32 to vector<1x4096xf32>
    %div3A_196 = arith.divf %add3A_193, %div3A_195 : vector<1x4096xf32>
    %reshape3A_197 = vector.shape_cast %div3A_196 : vector<1x4096xf32> to vector<4096xf32>
    %swap3A_198 = arith.constant 0 : index
    %swap3A_199 = vector.load %arg7[%swap3A_198] : memref<4096xf32, #tpu.memory_space<vmem>>, vector<4096xf32>
    tpu.vector_store %arg7[%swap3A_198], %reshape3A_197 {strides = array<i32>} : memref<4096xf32, #tpu.memory_space<vmem>>, vector<4096xf32>,
    return
  }
  func.func @transform_0(%arg0: i32) -> (i32, i32) {
    %c0_i32 = arith.constant 0 : i32
    %c0_i32_0 = arith.constant 0 : i32
    return %arg0, %c0_i32 : i32, i32
  }
  func.func @transform_1(%arg0: i32) -> (i32, i32) {
    %c0_i32 = arith.constant 0 : i32
    %c0_i32_0 = arith.constant 0 : i32
    return %arg0, %c0_i32 : i32, i32
  }
  func.func @transform_2(%arg0: i32) -> (i32, i32) {
    %add3A = arith.constant 1 : i32
    %add3A_0 = arith.addi %arg0, %add3A : i32
    %jit3A = arith.constant 4 : i32
    %eq3A = arith.constant 0 : i32
    %eq3A_1 = arith.cmpi eq, %jit3A, %eq3A : i32
    %jit3A_2 = arith.constant 1 : i32
    %select_n3A = arith.select %eq3A_1, %jit3A_2, %jit3A : i32
    %rem3A = arith.remsi %add3A_0, %select_n3A : i32
    %ne3A = arith.constant 0 : i32
    %ne3A_3 = arith.cmpi ne, %rem3A, %ne3A : i32
    %lt3A = arith.constant 0 : i32
    %lt3A_4 = arith.cmpi slt, %rem3A, %lt3A : i32
    %lt3A_5 = arith.constant 0 : i32
    %lt3A_6 = arith.cmpi slt, %select_n3A, %lt3A_5 : i32
    %ne3A_7 = arith.xori %lt3A_4, %lt3A_6 : i1
    %and3A = arith.andi %ne3A_7, %ne3A_3 : i1
    %add3A_8 = arith.addi %rem3A, %select_n3A : i32
    %select_n3A_9 = arith.select %and3A, %add3A_8, %rem3A : i32
    %mul3A = arith.constant 512 : i32
    %mul3A_10 = arith.muli %select_n3A_9, %mul3A : i32
    %c0_i32 = arith.constant 0 : i32
    %c0_i32_11 = arith.constant 0 : i32
    return %mul3A_10, %c0_i32 : i32, i32
  }
  func.func @transform_3(%arg0: i32) -> (i32, i32) {
    %add3A = arith.constant 1 : i32
    %add3A_0 = arith.addi %arg0, %add3A : i32
    %jit3A = arith.constant 4 : i32
    %eq3A = arith.constant 0 : i32
    %eq3A_1 = arith.cmpi eq, %jit3A, %eq3A : i32
    %jit3A_2 = arith.constant 1 : i32
    %select_n3A = arith.select %eq3A_1, %jit3A_2, %jit3A : i32
    %rem3A = arith.remsi %add3A_0, %select_n3A : i32
    %ne3A = arith.constant 0 : i32
    %ne3A_3 = arith.cmpi ne, %rem3A, %ne3A : i32
    %lt3A = arith.constant 0 : i32
    %lt3A_4 = arith.cmpi slt, %rem3A, %lt3A : i32
    %lt3A_5 = arith.constant 0 : i32
    %lt3A_6 = arith.cmpi slt, %select_n3A, %lt3A_5 : i32
    %ne3A_7 = arith.xori %lt3A_4, %lt3A_6 : i1
    %and3A = arith.andi %ne3A_7, %ne3A_3 : i1
    %add3A_8 = arith.addi %rem3A, %select_n3A : i32
    %select_n3A_9 = arith.select %and3A, %add3A_8, %rem3A : i32
    %mul3A = arith.constant 512 : i32
    %mul3A_10 = arith.muli %select_n3A_9, %mul3A : i32
    %c0_i32 = arith.constant 0 : i32
    %c0_i32_11 = arith.constant 0 : i32
    return %mul3A_10, %c0_i32 : i32, i32
  }
  func.func @transform_4(%arg0: i32) -> i32 {
    %c0_i32 = arith.constant 0 : i32
    return %arg0 : i32
  }
  func.func @transform_5(%arg0: i32) -> i32 {
    %c0_i32 = arith.constant 0 : i32
    return %arg0 : i32
  }
  func.func @transform_6(%arg0: i32) -> i32 {
    %c0_i32 = arith.constant 0 : i32
    return %arg0 : i32
  }
}

</mosaic_0001>

<sc_bundles>
// kernel: kernel.4.cloned.1.call-start
scs
__scs_entry_jumppad:
0x0: {  	(pc) =	sbr.rel $0x88, $3  }
0x1: {  	(tag) =	ssettag $0x0;
	lr =	simm.s32 $0x1  }
0x2: {  	[smem:$0x3F9D] =	sst lr;
	_ =	strace $0xD0000000  }
0x3: {  	_ = 	snop  }
0x4: {  	_ = 	snop  }
0x5: {  	_ = 	snop  }
0x6: {  	_ = 	snop  }
0x7: {  	_ = 	snop  }
__scs_overlays_trampoline_lowered:
0x8: {  	[smem:$0x3FAC] =	sst s0  }
0x9: {  	[smem:$0x3FAD] =	sst s1  }
0xa: {  	[smem:$0x3FAE] =	sst s2  }
0xb: {  	[smem:$0x3FAF] =	sst s3  }
0xc: {  	[smem:$0x3FB0] =	sst s4  }
0xd: {  	[smem:$0x3FB1] =	sst s5  }
0xe: {  	[smem:$0x3FB2] =	sst s6  }
0xf: {  	[smem:$0x3FB3] =	sst s7  }
0x10: {  	[smem:$0x3FB4] =	sst s8  }
0x11: {  	[smem:$0x3FB5] =	sst s9;
	s0 =	simm.s32 @!p0 $0x0  }
0x12: {  	s1 =	sld [smem:$0x3F9B];
	s0 =	simm.s32 @p0 $0x1  }
0x13: {  	[smem:$0x3FB6] =	sst s0;
	s0 =	simm.s32 @!p1 $0x0  }
0x14: {  	s2 =	sld [smem:$0x3F9A];
	s0 =	simm.s32 @p1 $0x1  }
0x15: {  	[smem:$0x3FB7] =	sst s0;
	s0 =	simm.s32 @!p2 $0x0  }
0x16: {  	s3 =	sld [smem:$0x3FDB];
	s0 =	simm.s32 @p2 $0x1  }
0x17: {  	s4 =	simm.s32 $0x1BF5;
	[smem:$0x3FB9] =	sst s0  }
0x18: {  	s0 =	sld [smem:$0x3F9C];
	_ =	swait.ge [sflag:s4], $0x0  }
0x19: {  	s7 =	sld [smem:$0x3F9D]  }
0x1a: {  	s8 =	sadd.s32 $0xFFFFE003, lr  }
0x1b: {  	s9 =	sadd.s32 $0xFFFFFEF7, lr;
	s5 =	simm.s32 $0xFFFFFFFF;
	p2 =	slt.u32 s8, $0xFFFFF086  }
0x1c: {  	p1 =	slt.u32 s9, $0xF7A;
	s5 =	simm.s32 @!p2 $0x0  }
0x1d: {  	s5 =	simm.s32 @p1 $0x1;
	p0 =	seq.s32 s7, s2  }
0x1e: {  	s7 =	smul.u32 @!p0 $0xF7A, s2;
	p2 =	seq.s32 @!p0 s5, $0x0  }
0x1f: {  	s9 =	smul.u32 $0xF7A, s1;
	s8 =	simm.s32 @!p0 $0x1BF5;
	p2 =	por !p2, p0  }
0x20: {  	[sflag:s8] =	ssyncset.s32 @!p0 $0xFFFFF086;
	s6 =	sadd.s32 @!p0 s3, s7;
	s7 =	simm.s32 @!p0 $0x108  }
0x21: {  	s3 =	sadd.s32 s3, s9;
	s6 =	sadd.s32 @!p0 $0x88, s6;
	s7 =	simm.s32 @p2 $0x1082  }
0x22: {  	[simem:s7], [sflag:s8] =	dma.local @!p0 [hbm:s6], $0xF7A  }
0x23: {  	s9 =	sor.u32 $0xD0000000, s2;
	s6 =	simm.s32 $0x108;
	_ =	swait.ge @!p0 [sflag:s8], $0x0  }
0x24: {  	s3 =	sadd.s32 $0x88, s3;
	s6 =	simm.s32 @!p1 $0x1082;
	[sflag:s4] =	ssyncset.s32 $0xFFFFF086  }
0x25: {  	[simem:s6], [sflag:s4] =	dma.local [hbm:s3], $0xF7A  }
0x26: {  	[smem:$0x3F9D] =	sst s1;
	(tag) =	ssettag s2;
	_ =	strace s9  }
0x27: {  	s1 =	sld [smem:$0x3FAD]  }
0x28: {  	s2 =	sld [smem:$0x3FAE]  }
0x29: {  	s4 =	sld [smem:$0x3FB0]  }
0x2a: {  	p0 =	seq.s32 s5, $0x0;
	s5 =	sld [smem:$0x3FB1]  }
0x2b: {  	s6 =	sld [smem:$0x3FB2]  }
0x2c: {  	s7 =	sld [smem:$0x3FB3]  }
0x2d: {  	s3 =	simm.s32 $0x108;
	s8 =	sld [smem:$0x3FB4]  }
0x2e: {  	s3 =	simm.s32 @!p0 $0x1082;
	s9 =	sld [smem:$0x3FB5]  }
0x2f: {  	lr =	sadd.s32 s0, s3;
	s0 =	sld [smem:$0x3FAC]  }
0x30: {  	s3 =	sld [smem:$0x3FAF]  }
0x31: {  	[smem:$0x3FB8] =	sst s10  }
0x32: {  	s10 =	sld [smem:$0x3FB6];
	_ =	sdelay $0x3  }
0x33: {  	p0 =	seq.s32 s10, $0x1;
	s10 =	sld [smem:$0x3FB8];
	_ =	sdelay $0x3  }
0x34: {  	[smem:$0x3FB8] =	sst s10  }
0x35: {  	s10 =	sld [smem:$0x3FB7];
	_ =	sdelay $0x3  }
0x36: {  	p1 =	seq.s32 s10, $0x1;
	s10 =	sld [smem:$0x3FB8];
	_ =	sdelay $0x3  }
0x37: {  	[smem:$0x3FB8] =	sst s10  }
0x38: {  	s10 =	sld [smem:$0x3FB9]  }
0x39: {  	_ = 	snop;
	(pc) =	sbr.ind lr, $3  }
0x3a: {  	_ = 	snop  }
0x3b: {  	_ = 	snop  }
0x3c: {  	p2 =	seq.s32 s10, $0x1;
	s10 =	sld [smem:$0x3FB8]  }
0x3d: {  	_ =	shalt  }
0x3e: {  	_ =	shalt  }
0x3f: {  	_ =	shalt  }
0x40: {  	_ =	shalt  }
0x41: {  	_ =	shalt  }
0x42: {  	_ =	shalt  }
0x43: {  	_ =	shalt  }
0x44: {  	_ =	shalt  }
0x45: {  	_ =	shalt  }
0x46: {  	_ =	shalt  }
0x47: {  	_ =	shalt  }
0x48: {  	_ =	shalt  }
0x49: {  	_ =	shalt  }
0x4a: {  	_ =	shalt  }
0x4b: {  	_ =	shalt  }
0x4c: {  	_ =	shalt  }
0x4d: {  	_ =	shalt  }
0x4e: {  	_ =	shalt  }
0x4f: {  	_ =	shalt  }
0x50: {  	_ =	shalt  }
0x51: {  	_ =	shalt  }
0x52: {  	_ =	shalt  }
0x53: {  	_ =	shalt  }
0x54: {  	_ =	shalt  }
0x55: {  	_ =	shalt  }
0x56: {  	_ =	shalt  }
0x57: {  	_ =	shalt  }
0x58: {  	_ =	shalt  }
0x59: {  	_ =	shalt  }
0x5a: {  	_ =	shalt  }
0x5b: {  	_ =	shalt  }
0x5c: {  	_ =	shalt  }
0x5d: {  	_ =	shalt  }
0x5e: {  	_ =	shalt  }
0x5f: {  	_ =	shalt  }
0x60: {  	_ =	shalt  }
0x61: {  	_ =	shalt  }
0x62: {  	_ =	shalt  }
0x63: {  	_ =	shalt  }
0x64: {  	_ =	shalt  }
0x65: {  	_ =	shalt  }
0x66: {  	_ =	shalt  }
0x67: {  	_ =	shalt  }
0x68: {  	_ =	shalt  }
0x69: {  	_ =	shalt  }
0x6a: {  	_ =	shalt  }
0x6b: {  	_ =	shalt  }
0x6c: {  	_ =	shalt  }
0x6d: {  	_ =	shalt  }
0x6e: {  	_ =	shalt  }
0x6f: {  	_ =	shalt  }
0x70: {  	_ =	shalt  }
0x71: {  	_ =	shalt  }
0x72: {  	_ =	shalt  }
0x73: {  	_ =	shalt  }
0x74: {  	_ =	shalt  }
0x75: {  	_ =	shalt  }
0x76: {  	_ =	shalt  }
0x77: {  	_ =	shalt  }
0x78: {  	_ =	shalt  }
0x79: {  	_ =	shalt  }
0x7a: {  	_ =	shalt  }
0x7b: {  	_ =	shalt  }
0x7c: {  	_ =	shalt  }
0x7d: {  	_ =	shalt  }
0x7e: {  	_ =	shalt  }
0x7f: {  	_ =	shalt  }
0x80: {  	_ =	shalt  }
0x81: {  	_ =	shalt  }
0x82: {  	_ =	shalt  }
0x83: {  	_ =	shalt  }
0x84: {  	_ =	shalt  }
0x85: {  	_ =	shalt  }
0x86: {  	_ =	shalt  }
0x87: {  	_ =	shalt  }
.Lfunc_end0:
.L_simem_size_0:
called_computation_lowered:
.L_overlay_start_0:
0x88: {  	s2 =	sld [smem:$0x3FD9]  }
0x89: {  	s3 =	sld [smem:$0x3FFE];
	_ =	sdelay $0x1  }
0x8a: {  	s1 =	srdreg.scid  }
0x8b: {  	s0 =	sand.u32 $0x1, s1  }
0x8c: {  	s14 =	sshll.u32 s0, $0xA;
	s2 =	sadd.s32 s3, s2  }
0x8d: {  	s2 =	sadd.s32 s2, s14  }
0x8e: {  	[smem:$0x3FC4] =	sst s2  }
0x8f: {  	_ = 	snop  }
0x90: {  	s2 =	sld [smem:$0x3FD0];
	_ =	sdelay $0x1  }
0x91: {  	s15 =	sld [smem:$0x3FC7]  }
0x92: {  	s5 =	simm.s32 $0xA;
	s6 =	simm.s32 $0x10;
	s4 =	sld [smem:$0x3FC6]  }
0x93: {  	[smem:s6], [sflag:s5] =	dma.local [hbm:s2], $0x1  }
0x94: {  	_ =	swait.eq [sflag:s5], $0x1  }
0x95: {  	[sflag:s5] =	ssyncset.done $0x0  }
0x96: {  	[sflag:s5] =	ssyncadd.s32 $0xFFFFFFFF  }
0x97: {  	s16 =	sld [smem:$0x11];
	(tm) =	ssettm $0x1  }
0x98: {  	s17 =	sld [smem:$0x3FFB];
	_ =	sdelay $0x3  }
0x99: {  	_ =	strace s17  }
0x9a: {  	s5 =	sld [smem:$0x3FFC];
	_ =	sdelay $0x3  }
0x9b: {  	_ =	strace s5  }
0x9c: {  	s5 =	sld [smem:$0x3FFD];
	_ =	sdelay $0x3  }
0x9d: {  	_ =	strace s5  }
0x9e: {  	_ =	strace $0x8FFFFFFF  }
0x9f: {  	s18 =	sld [smem:$0x3FDB];
	_ =	sdelay $0x1  }
0xa0: {  	s19 =	simm.s32 $_scs_section_size  }
0xa1: {  	s7 =	simm.s32 $_size__tile_overlayer_lowered;
	s8 =	simm.s32 $_tile_overlayer_lowered  }
0xa2: {  	s22 =	simm.s32 $0x1BFF;
	s21 =	sshll.u32 s8, $0x1;
	s5 =	sadd.s32 s19, s18  }
0xa3: {  	s9 =	simm.s32 $0x0;
	s20 =	sshll.u32 s7, $0x1;
	s7 =	sadd.s32 s21, s5  }
0xa4: {  	[timem:s9], [sflag:s22] =	dma.local [hbm:s7], s20  }
0xa5: {  	_ =	swait.ge [sflag:s22], s20  }
0xa6: {  	s6 =	ssub.s32 $0x0, s20;
	[sflag:s22] =	ssyncset.done $0x0  }
0xa7: {  	[sflag:s22] =	ssyncadd.s32 s6;
	_ =	sdelay $0x1  }
0xa8: {  	s23 =	simm.s32 $0x1B8B  }
0xa9: {  	_ =	swait.ge [sflag:s23], $0x1  }
0xaa: {  	[sflag:s23] =	ssyncset.done $0x0  }
0xab: {  	s25 =	simm.s32 $0x1B8E;
	s24 =	sld [smem:$0x3FFE];
	[sflag:s23] =	ssyncadd.s32 $0xFFFFFFFF  }
0xac: {  	s26 =	simm.s32 $execute0_lowered;
	[smem:$0x3FD2] =	sst s25  }
0xad: {  	s7 =	sshll.u32 s26, $0x1;
	_ =	strace $0x80000046;
	[dreg:$0x1] =	wrdreg $0xFFFFFFFF  }
0xae: {  	s28 =	simm.s32 $_size_execute0_lowered;
	s5 =	sadd.s32 s5, s7;
	[dreg:$0x0] =	wrdreg $0x0  }
0xaf: {  	s7 =	sshll.u32 s28, $0x1;
	[dreg:$0x2] =	wrdreg s5  }
0xb0: {  	[dreg:$0x3] =	wrdreg s7  }
0xb1: {  	[dreg:$0x4] =	wrdreg $0xC0  }
0xb2: {  	_ =	task [dreg:s9], $0x5FFFF  }
0xb3: {  	[dreg:$0x1] =	wrdreg $0xFFFFFFFF  }
0xb4: {  	[dreg:$0x0] =	wrdreg $0x60  }
0xb5: {  	[dreg:$0x2] =	wrdreg s15  }
0xb6: {  	[dreg:$0x3] =	wrdreg s24  }
0xb7: {  	[dreg:$0x4] =	wrdreg s4  }
0xb8: {  	[dreg:$0x5] =	wrdreg s16  }
0xb9: {  	[dreg:$0x6] =	wrdreg $0x9  }
0xba: {  	_ =	task.clear_ibuf [dreg:s9], $0x7FFFF;
	_ =	strace $0x90000046  }
0xbb: {  	s29 =	simm.s32 $0x9;
	_ =	strace $0x80000048  }
0xbc: {  	_ =	swait.ge [sflag:s29], $0x1  }
0xbd: {  	[sflag:s29] =	ssyncadd.s32 $0xFFFFFFFF  }
0xbe: {  	_ =	strace $0x90000048  }
0xbf: {  	_ =	sfence  }
0xc0: {  	s30 =	sld [smem:$0x0];
	_ =	sdelay $0x2  }
0xc1: {  	s31 =	sshll.u32 s1, $0xD;
	s1 =	sshrl.u32 s1, $0x2  }
0xc2: {  	s3 =	sand.u32 $0x4000, s31;
	s1 =	sadd.s32 s1, s30  }
0xc3: {  	s0 =	sor.u32 s3, s0;
	s1 =	sshll.u32 s1, $0x11  }
0xc4: {  	s0 =	sor.u32 s1, s0  }
0xc5: {  	s0 =	sadd.s32 $0x8F2B, s0  }
0xc6: {  	[sflag:s0] =	ssyncadd.remote.s32 $0x1  }
0xc7: {  	_ =	sfence.sel $0xFFFF  }
0xc8: {  	[dreg:$0x0] =	wrdreg $0xFFFFFFFF;
	(pc) =	sbr.abs _section_cstart, $3  }
0xc9: {  	[dreg:$0x1] =	wrdreg $0xFFFFFFFF  }
0xca: {  	_ =	task.clear_ibuf [dreg:s9], $0x2FFFF;
	_ =	strace $0x9FFFFFFF  }
0xcb: {  	(tm) =	ssettm $0x7FFFFFFF  }
tec
execute0_lowered:
.L_overlay_start_1:
0x0: {  	(tag) =	ssettag $0x1  }
0x1: {  	s13 =	rddreg [dreg:$0x0]  }
0x2: {  	s0 =	rddreg [dreg:$0x1]  }
0x3: {  	s7 =	rddreg [dreg:$0x2]  }
0x4: {  	s1 =	rddreg [dreg:$0x3]  }
0x5: {  	s2 =	srdreg.scid;
	s3 =	stileid.u32  }
0x6: {  	s4 =	simm.s32 $0x0;
	s19 =	simm.s32 $0xC800;
	s28 =	simm.s32 $0xC000  }
0x7: {  	s31 =	simm.s32 $0x3;
	s20 =	simm.s32 $0x4;
	s21 =	simm.s32 $0x5  }
0x8: {  	s22 =	simm.s32 $0x6;
	s23 =	simm.s32 $0x7;
	[smem:$0x7FF] =	sst s4  }
0x9: {  	v0 =	vimm.f32 $9.999999950e+11;
	s24 =	simm.s32 $0x2;
	s29 =	simm.s32 $0x0;
	_ =	strace $0x80000047  }
0xa: {  	s2 =	sand.u32 $0x1, s2;
	s3 =	sshll.u32 s3, $0x1;
	s5 =	sadd.s32 $0x1000, s0;
	(erf) = vrcp.f32 v0  }
0xb: {  	s8 =	sadd.s32 $0x1200, s0;
	s9 =	sadd.s32 $0x400, s13;
	s10 =	sadd.s32 $0x1400, s0  }
0xc: {  	s11 =	sadd.s32 $0x600, s13;
	s12 =	sadd.s32 $0x1600, s0;
	s3 =	sor.u32 s2, s3  }
0xd: {  	[dreg:$0x5] =	wrdreg s5;
	s2 =	ssub.s32 $0x2, s2;
	s26 =	sshll.u32 s3, $0x6  }
0xe: {  	s6 =	sshll.u32 s3, $0x4;
	s3 =	smul.u32 $0x7A12, s3;
	s30 =	sshrl.u32 s2, $0x1  }
0xf: {  	s15 =	sadd.s32 s26, s0;
	s17 =	sadd.s32 s6, s0;
	s2 =	ssub.s32 s2, s30  }
0x10: {  	s0 =	simm.s32 $0x1;
	s25 =	sand.u32 $0xFFFF8, s3;
	s3 =	sshrl.u32 s3, $0x3  }
0x11: {  	s14 =	sadd.s32 $0x1800, s15;
	s15 =	sadd.s32 $0x2000, s15;
	s17 =	sadd.s32 $0x2800, s17  }
0x12: {  	s18 =	smax.u32 s2, $0x1;
	s6 =	sadd.s32 s7, s3;
	s7 =	sadd.s32 $0x200, s13  }
0x13: {  	s13 =	sadd.s32 s13, s26;
	s16 =	sadd.s32 s1, s3;
	v0 =	vmov s25;
	s26 =	simm.s32 $0x8;
	v1 =	vpop (erf)  }
.LBB2_1:
0x14: {  	[tilespmem:s19], [sflag:$0x3] =	stream.linear.gather [hbm4b:s6+s4], $0x7A18, $0x38;
	[tilespmem:$0x14300] =	vst v63  }
0x15: {  	s1 =	rddreg [dreg:$0x0]  }
0x16: {  	[tilespmem:s4], [sflag:$0x4] =	stream.linear.gather [hbm4b:s1+s4], $0x1000, $0x38;
	[tilespmem:$0x14300] =	vst v63  }
0x17: {  	s25 =	rddreg [dreg:$0x5];
	s2 =	simm.s32 $0x4000  }
0x18: {  	[tilespmem:s2], [sflag:$0x4] =	stream.linear.gather [hbm4b:s25+s4], $0x1000, $0x38;
	[tilespmem:$0x14300] =	vst v63  }
0x19: {  	s2 =	simm.s32 $0x1000  }
0x1a: {  	[tilespmem:s2], [sflag:$0x5] =	stream.linear.gather [hbm4b:s7+s4], $0x1000, $0x38;
	[tilespmem:$0x14300] =	vst v63  }
0x1b: {  	s3 =	simm.s32 $0x5000  }
0x1c: {  	[tilespmem:s3], [sflag:$0x5] =	stream.linear.gather [hbm4b:s8+s4], $0x1000, $0x38;
	[tilespmem:$0x14300] =	vst v63  }
0x1d: {  	s5 =	simm.s32 $0x2000  }
0x1e: {  	[tilespmem:s5], [sflag:$0x6] =	stream.linear.gather [hbm4b:s9+s4], $0x1000, $0x38;
	[tilespmem:$0x14300] =	vst v63  }
0x1f: {  	s25 =	simm.s32 $0x6000  }
0x20: {  	[tilespmem:s25], [sflag:$0x6] =	stream.linear.gather [hbm4b:s10+s4], $0x1000, $0x38;
	[tilespmem:$0x14300] =	vst v63  }
0x21: {  	s2 =	simm.s32 $0x3000  }
0x22: {  	[tilespmem:s2], [sflag:$0x7] =	stream.linear.gather [hbm4b:s11+s4], $0x1000, $0x38;
	[tilespmem:$0x14300] =	vst v63  }
0x23: {  	s3 =	simm.s32 $0x7000  }
0x24: {  	[tilespmem:s3], [sflag:$0x7] =	stream.linear.gather [hbm4b:s12+s4], $0x1000, $0x38;
	[tilespmem:$0x14300] =	vst v63  }
0x25: {  	_ = 	snop  }
0x26: {  	[tilespmem:s28], [sflag:$0x1] =	stream.linear.gather [hbm4b:s13+s4], $0x200, $0x38;
	[tilespmem:$0x14300] =	vst v63  }
0x27: {  	s5 =	simm.s32 $0xC400  }
0x28: {  	[tilespmem:s5], [sflag:$0x1] =	stream.linear.gather [hbm4b:s14+s4], $0x200, $0x38;
	[tilespmem:$0x14300] =	vst v63  }
0x29: {  	s25 =	simm.s32 $0xC600  }
0x2a: {  	[tilespmem:s25], [sflag:$0x1] =	stream.linear.gather [hbm4b:s15+s4], $0x200, $0x38;
	[tilespmem:$0x14300] =	vst v63  }
0x2b: {  	_ =	swait.ge [sflag:s31], $0x7A18  }
0x2c: {  	[sflag:s31] =	ssyncset.done $0x0  }
0x2d: {  	[sflag:s31] =	ssyncadd.s32 $0xFFFF85E8  }
0x2e: {  	_ =	swait.ge [sflag:s0], $0x200  }
0x2f: {  	[sflag:s0] =	ssyncset.done $0x0  }
0x30: {  	[sflag:s0] =	ssyncadd.s32 $0xFFFFFE00  }
0x31: {  	_ =	swait.ge [sflag:s0], $0x200  }
0x32: {  	[sflag:s0] =	ssyncset.done $0x0  }
0x33: {  	[sflag:s0] =	ssyncadd.s32 $0xFFFFFE00  }
0x34: {  	_ =	swait.ge [sflag:s0], $0x200  }
0x35: {  	[sflag:s0] =	ssyncset.done $0x0  }
0x36: {  	[sflag:s0] =	ssyncadd.s32 $0xFFFFFE00  }
0x37: {  	s3 =	simm.s32 $0xC200;
	s5 =	simm.s32 $0x200;
	s2 =	rddreg [dreg:$0x2]  }
0x38: {  	[tilespmem:s3], [sflag:$0x2] =	stream.indirect.gather [hbm4b:s2+s5], $0x1, s28, s5, $0xb8;
	[tilespmem:$0x14300] =	vst v63  }
0x39: {  	_ =	swait.ge [sflag:s20], $0x1000  }
0x3a: {  	[sflag:s20] =	ssyncset.done $0x0  }
0x3b: {  	[sflag:s20] =	ssyncadd.s32 $0xFFFFF000  }
0x3c: {  	_ =	swait.ge [sflag:s20], $0x1000  }
0x3d: {  	[sflag:s20] =	ssyncset.done $0x0  }
0x3e: {  	s25 =	simm.s32 $0x40;
	[sflag:s20] =	ssyncadd.s32 $0xFFFFF000  }
0x3f: {  	v2 =	vld [tilespmem:s25+$0x30]  }
0x40: {  	v3 =	vld [tilespmem:s25+$0xFFFFFFD0]  }
0x41: {  	v4 =	vld [tilespmem:s25+$0xFFFFFFE0]  }
0x42: {  	v6 =	vld [tilespmem:s25+$0xFFFFFFF0]  }
0x43: {  	v8 =	vld [tilespmem:s25+$0x0]  }
0x44: {  	v9 =	vld [tilespmem:s25+$0x10]  }
0x45: {  	v11 =	vld [tilespmem:s25+$0xFFFFFFC0]  }
0x46: {  	v12 =	vld [tilespmem:s25+$0x20];
	v2 =	vsub.s32 v2, v0  }
0x47: {  	v3 =	vsub.s32 v3, v0;
	v10 =	vmin.u32 v2, $0x7A18  }
0x48: {  	v7 =	vmin.u32 v3, $0x7A18;
	v2 =	vsub.s32 v4, v0  }
0x49: {  	s30 =	simm.s32 $0x4040;
	v3 =	vsub.s32 v9, v0;
	v5 =	vmin.u32 v2, $0x7A18  }
0x4a: {  	v16 =	vld [tilespmem:s30+$0xFFFFFFC0];
	v2 =	vsub.s32 v6, v0;
	v3 =	vmin.u32 v3, $0x7A18;
	v6 =	vsub.s32 v11, v0  }
0x4b: {  	v11 =	vsub.s32 v12, v0;
	v12 =	vld [tilespmem:s30+$0x30];
	v4 =	vmin.u32 v2, $0x7A18;
	v2 =	vsub.s32 v8, v0  }
0x4c: {  	v2 =	vmin.u32 v2, $0x7A18;
	v9 =	vld.idx.msk [tilespmem:v10+s19+$0x0], $0xffff  }
0x4d: {  	v8 =	vmin.u32 v6, $0x7A18;
	v13 =	vld.idx.msk [tilespmem:v7+s19+$0x0], $0xffff  }
0x4e: {  	v6 =	vmin.u32 v11, $0x7A18;
	v14 =	vld.idx.msk [tilespmem:v5+s19+$0x0], $0xffff  }
0x4f: {  	v20 =	vld.idx.msk [tilespmem:v3+s19+$0x0], $0xffff  }
0x50: {  	v18 =	vld.idx.msk [tilespmem:v4+s19+$0x0], $0xffff  }
0x51: {  	v19 =	vld.idx.msk [tilespmem:v2+s19+$0x0], $0xffff;
	v9 =	vmul.f32 $9.900000090e-01, v9  }
0x52: {  	v15 =	vld.idx.msk [tilespmem:v8+s19+$0x0], $0xffff  }
0x53: {  	v11 =	vld.idx.msk [tilespmem:v6+s19+$0x0], $0xffff;
	v9 =	vadd.f32 v12, v9  }
0x54: {  	v17 =	vld [tilespmem:s30+$0xFFFFFFD0];
	v12 =	vmul.f32 $9.900000090e-01, v13  }
0x55: {  	s2 =	simm.s32 $0x8040;
	v13 =	vmul.f32 $9.900000090e-01, v14;
	v14 =	vmul.f32 $9.900000090e-01, v18;
	v18 =	vld [tilespmem:s30+$0xFFFFFFE0];
	[tilespmem:s30+$0x30] =	vst v9  }
0x56: {  	s1 =	simm.s32 $0xC0;
	s3 =	simm.s32 $0x4040;
	s25 =	simm.s32 $0x0;
	v9 =	vmul.f32 $9.900000090e-01, v19;
	v19 =	vld [tilespmem:s30+$0xFFFFFFF0];
	[tilespmem:s2+$0x30] =	vst v10;
	v10 =	vmul.f32 $9.900000090e-01, v20  }
.LBB2_2:
0x57: {  	v20 =	vld [tilespmem:s1+$0x30];
	v15 =	vmul.f32 $9.900000090e-01, v15  }
0x58: {  	s25 =	sadd.s32 $0x8, s25;
	v11 =	vmul.f32 $9.900000090e-01, v11;
	v21 =	vld [tilespmem:s1+$0xFFFFFFD0]  }
0x59: {  	p0 =	slt.u32 s25, $0xF8;
	v22 =	vld [tilespmem:s1+$0xFFFFFFE0];
	v15 =	vadd.f32 v16, v15;
	v12 =	vadd.f32 v17, v12  }
0x5a: {  	v16 =	vld [tilespmem:s1+$0xFFFFFFF0];
	v13 =	vadd.f32 v18, v13  }
0x5b: {  	v17 =	vld [tilespmem:s1+$0x0];
	[tilespmem:s30+$0xFFFFFFC0] =	vst v15;
	v14 =	vadd.f32 v19, v14  }
0x5c: {  	v15 =	vld [tilespmem:s1+$0x10];
	v18 =	vsub.s32 v20, v0;
	[tilespmem:s2+$0xFFFFFFC0] =	vst v8  }
0x5d: {  	v8 =	vsub.s32 v21, v0;
	v19 =	vld [tilespmem:s1+$0x20];
	v20 =	vmin.u32 v18, $0x7A18;
	[tilespmem:s30+$0xFFFFFFD0] =	vst v12  }
0x5e: {  	v12 =	vld [tilespmem:s1+$0xFFFFFFC0];
	v18 =	vsub.s32 v22, v0;
	[tilespmem:s2+$0xFFFFFFD0] =	vst v7;
	v7 =	vmin.u32 v8, $0x7A18  }
0x5f: {  	v18 =	vmin.u32 v18, $0x7A18;
	v8 =	vsub.s32 v16, v0;
	[tilespmem:s30+$0xFFFFFFE0] =	vst v13;
	v13 =	vld [tilespmem:s30+$0x0]  }
0x60: {  	v16 =	vmin.u32 v8, $0x7A18;
	v8 =	vsub.s32 v17, v0;
	[tilespmem:s2+$0xFFFFFFE0] =	vst v5;
	v17 =	vld [tilespmem:s30+$0x10];
	v5 =	vmov v18  }
0x61: {  	v21 =	vmin.u32 v8, $0x7A18;
	v8 =	vsub.s32 v15, v0;
	[tilespmem:s30+$0xFFFFFFF0] =	vst v14;
	v14 =	vld [tilespmem:s30+$0x20]  }
0x62: {  	v22 =	vmin.u32 v8, $0x7A18;
	v8 =	vsub.s32 v19, v0;
	v15 =	vld.idx.msk [tilespmem:v20+s19+$0x0], $0xffff;
	[tilespmem:s2+$0xFFFFFFF0] =	vst v4;
	v4 =	vmov v16  }
0x63: {  	v12 =	vsub.s32 v12, v0;
	v19 =	vld.idx.msk [tilespmem:v7+s19+$0x0], $0xffff;
	v23 =	vmin.u32 v8, $0x7A18  }
0x64: {  	s30 =	sadd.s32 $0x80, s30;
	v8 =	vmin.u32 v12, $0x7A18;
	v18 =	vld.idx.msk [tilespmem:v18+s19+$0x0], $0xffff;
	v9 =	vadd.f32 v13, v9  }
0x65: {  	v24 =	vld [tilespmem:s30+$0x30];
	v10 =	vadd.f32 v17, v10  }
0x66: {  	v25 =	vld.idx.msk [tilespmem:v16+s19+$0x0], $0xffff;
	[tilespmem:s3+$0x0] =	vst v9;
	v9 =	vadd.f32 v14, v11  }
0x67: {  	v26 =	vld.idx.msk [tilespmem:v21+s19+$0x0], $0xffff;
	[tilespmem:s2+$0x0] =	vst v2;
	v2 =	vmov v21  }
0x68: {  	v14 =	vmul.f32 $9.900000090e-01, v15;
	v21 =	vld.idx.msk [tilespmem:v22+s19+$0x0], $0xffff;
	[tilespmem:s3+$0x10] =	vst v10  }
0x69: {  	v12 =	vmul.f32 $9.900000090e-01, v19;
	v15 =	vld.idx.msk [tilespmem:v8+s19+$0x0], $0xffff;
	[tilespmem:s2+$0x10] =	vst v3;
	v3 =	vmov v22  }
.Ltmp0:
0x6a: {  	v13 =	vmul.f32 $9.900000090e-01, v18;
	v11 =	vld.idx.msk [tilespmem:v23+s19+$0x0], $0xffff;
	v10 =	vadd.f32 v24, v14;
	[tilespmem:s3+$0x20] =	vst v9;
	s3 =	smov.u32 s30;
	(pc) =	sbr.rel @p0 .LBB2_2-.Ltmp0, $4  }
0x6b: {  	v16 =	vld [tilespmem:s30+$0xFFFFFFC0];
	[tilespmem:s2+$0x20] =	vst v6;
	v6 =	vmov v23  }
0x6c: {  	v14 =	vmul.f32 $9.900000090e-01, v25;
	s2 =	sadd.s32 $0x80, s2;
	v17 =	vld [tilespmem:s30+$0xFFFFFFD0];
	[tilespmem:s30+$0x30] =	vst v10  }
0x6d: {  	v9 =	vmul.f32 $9.900000090e-01, v26;
	v18 =	vld [tilespmem:s30+$0xFFFFFFE0];
	[tilespmem:s2+$0x30] =	vst v20  }
0x6e: {  	s1 =	sadd.s32 $0x80, s1;
	v10 =	vmul.f32 $9.900000090e-01, v21;
	v19 =	vld [tilespmem:s30+$0xFFFFFFF0]  }
0x6f: {  	v15 =	vmul.f32 $9.900000090e-01, v15;
	_ =	sdelay $0x1  }
0x70: {  	v15 =	vadd.f32 v16, v15  }
0x71: {  	v12 =	vadd.f32 v17, v12  }
0x72: {  	[tilespmem:s30+$0xFFFFFFC0] =	vst v15  }
0x73: {  	[tilespmem:s30+$0xFFFFFFD0] =	vst v12  }
0x74: {  	[tilespmem:s2+$0xFFFFFFC0] =	vst v8;
	v8 =	vld [tilespmem:s30+$0x0]  }
0x75: {  	v13 =	vadd.f32 v18, v13;
	[tilespmem:s2+$0xFFFFFFD0] =	vst v7;
	v7 =	vld [tilespmem:s30+$0x10];
	_ =	sdelay $0x1  }
0x76: {  	v12 =	vadd.f32 v19, v14;
	[tilespmem:s30+$0xFFFFFFE0] =	vst v13  }
0x77: {  	[tilespmem:s2+$0xFFFFFFE0] =	vst v5;
	v5 =	vld [tilespmem:s30+$0x20]  }
0x78: {  	[tilespmem:s30+$0xFFFFFFF0] =	vst v12;
	v8 =	vadd.f32 v8, v9  }
0x79: {  	[tilespmem:s2+$0xFFFFFFF0] =	vst v4;
	v7 =	vadd.f32 v7, v10  }
0x7a: {  	v4 =	vmul.f32 $9.900000090e-01, v11;
	[tilespmem:s3+$0x0] =	vst v8  }
0x7b: {  	[tilespmem:s3+$0x10] =	vst v7  }
0x7c: {  	[tilespmem:s2+$0x0] =	vst v2;
	v2 =	vadd.f32 v5, v4  }
0x7d: {  	[tilespmem:s2+$0x10] =	vst v3  }
0x7e: {  	[tilespmem:s3+$0x20] =	vst v2  }
0x7f: {  	[tilespmem:s2+$0x20] =	vst v6  }
0x80: {  	_ =	swait.ge [sflag:s21], $0x1000  }
0x81: {  	[sflag:s21] =	ssyncset.done $0x0  }
0x82: {  	[sflag:s21] =	ssyncadd.s32 $0xFFFFF000  }
0x83: {  	_ =	swait.ge [sflag:s21], $0x1000  }
0x84: {  	[sflag:s21] =	ssyncset.done $0x0  }
0x85: {  	s1 =	simm.s32 $0x1070;
	[sflag:s21] =	ssyncadd.s32 $0xFFFFF000  }
0x86: {  	v2 =	vld [tilespmem:s1+$0x0]  }
0x87: {  	v3 =	vld [tilespmem:s1+$0xFFFFFFA0]  }
0x88: {  	v4 =	vld [tilespmem:s1+$0xFFFFFFB0]  }
0x89: {  	v6 =	vld [tilespmem:s1+$0xFFFFFFC0]  }
0x8a: {  	v8 =	vld [tilespmem:s1+$0xFFFFFFD0]  }
0x8b: {  	v9 =	vld [tilespmem:s1+$0xFFFFFFE0]  }
0x8c: {  	v11 =	vld [tilespmem:s1+$0xFFFFFF90]  }
0x8d: {  	v12 =	vld [tilespmem:s1+$0xFFFFFFF0];
	v2 =	vsub.s32 v2, v0  }
0x8e: {  	v3 =	vsub.s32 v3, v0;
	v10 =	vmin.u32 v2, $0x7A18  }
0x8f: {  	v7 =	vmin.u32 v3, $0x7A18;
	v2 =	vsub.s32 v4, v0  }
0x90: {  	s30 =	simm.s32 $0x5070;
	v3 =	vsub.s32 v9, v0;
	v5 =	vmin.u32 v2, $0x7A18  }
0x91: {  	v16 =	vld [tilespmem:s30+$0xFFFFFF90];
	v2 =	vsub.s32 v6, v0;
	v3 =	vmin.u32 v3, $0x7A18;
	v6 =	vsub.s32 v11, v0  }
0x92: {  	v11 =	vsub.s32 v12, v0;
	v12 =	vld [tilespmem:s30+$0x0];
	v4 =	vmin.u32 v2, $0x7A18;
	v2 =	vsub.s32 v8, v0  }
0x93: {  	v2 =	vmin.u32 v2, $0x7A18;
	v9 =	vld.idx.msk [tilespmem:v10+s19+$0x0], $0xffff  }
0x94: {  	v8 =	vmin.u32 v6, $0x7A18;
	v13 =	vld.idx.msk [tilespmem:v7+s19+$0x0], $0xffff  }
0x95: {  	v6 =	vmin.u32 v11, $0x7A18;
	v14 =	vld.idx.msk [tilespmem:v5+s19+$0x0], $0xffff  }
0x96: {  	v20 =	vld.idx.msk [tilespmem:v3+s19+$0x0], $0xffff  }
0x97: {  	v18 =	vld.idx.msk [tilespmem:v4+s19+$0x0], $0xffff  }
0x98: {  	v19 =	vld.idx.msk [tilespmem:v2+s19+$0x0], $0xffff;
	v9 =	vmul.f32 $9.900000090e-01, v9  }
0x99: {  	v15 =	vld.idx.msk [tilespmem:v8+s19+$0x0], $0xffff  }
0x9a: {  	v11 =	vld.idx.msk [tilespmem:v6+s19+$0x0], $0xffff;
	v9 =	vadd.f32 v12, v9  }
0x9b: {  	v17 =	vld [tilespmem:s30+$0xFFFFFFA0];
	v12 =	vmul.f32 $9.900000090e-01, v13  }
0x9c: {  	s2 =	simm.s32 $0x9070;
	v13 =	vmul.f32 $9.900000090e-01, v14;
	v14 =	vmul.f32 $9.900000090e-01, v18;
	v18 =	vld [tilespmem:s30+$0xFFFFFFB0];
	[tilespmem:s30+$0x0] =	vst v9  }
0x9d: {  	s25 =	simm.s32 $0x100;
	s3 =	simm.s32 $0x5070;
	s1 =	simm.s32 $0x10F0;
	v9 =	vmul.f32 $9.900000090e-01, v19;
	v19 =	vld [tilespmem:s30+$0xFFFFFFC0];
	[tilespmem:s2+$0x0] =	vst v10;
	v10 =	vmul.f32 $9.900000090e-01, v20  }
.LBB2_4:
0x9e: {  	v20 =	vld [tilespmem:s1+$0x0];
	v15 =	vmul.f32 $9.900000090e-01, v15  }
0x9f: {  	s25 =	sadd.s32 $0x8, s25;
	v11 =	vmul.f32 $9.900000090e-01, v11;
	v21 =	vld [tilespmem:s1+$0xFFFFFFA0]  }
0xa0: {  	p0 =	slt.u32 s25, $0x1F8;
	v22 =	vld [tilespmem:s1+$0xFFFFFFB0];
	v15 =	vadd.f32 v16, v15;
	v12 =	vadd.f32 v17, v12  }
0xa1: {  	v16 =	vld [tilespmem:s1+$0xFFFFFFC0];
	v13 =	vadd.f32 v18, v13  }
0xa2: {  	v17 =	vld [tilespmem:s1+$0xFFFFFFD0];
	[tilespmem:s30+$0xFFFFFF90] =	vst v15;
	v14 =	vadd.f32 v19, v14  }
0xa3: {  	v15 =	vld [tilespmem:s1+$0xFFFFFFE0];
	v18 =	vsub.s32 v20, v0;
	[tilespmem:s2+$0xFFFFFF90] =	vst v8  }
0xa4: {  	v8 =	vsub.s32 v21, v0;
	v19 =	vld [tilespmem:s1+$0xFFFFFFF0];
	v20 =	vmin.u32 v18, $0x7A18;
	[tilespmem:s30+$0xFFFFFFA0] =	vst v12  }
0xa5: {  	v12 =	vld [tilespmem:s1+$0xFFFFFF90];
	v18 =	vsub.s32 v22, v0;
	[tilespmem:s2+$0xFFFFFFA0] =	vst v7;
	v7 =	vmin.u32 v8, $0x7A18  }
0xa6: {  	v18 =	vmin.u32 v18, $0x7A18;
	v8 =	vsub.s32 v16, v0;
	[tilespmem:s30+$0xFFFFFFB0] =	vst v13;
	v13 =	vld [tilespmem:s30+$0xFFFFFFD0]  }
0xa7: {  	v16 =	vmin.u32 v8, $0x7A18;
	v8 =	vsub.s32 v17, v0;
	[tilespmem:s2+$0xFFFFFFB0] =	vst v5;
	v17 =	vld [tilespmem:s30+$0xFFFFFFE0];
	v5 =	vmov v18  }
0xa8: {  	v21 =	vmin.u32 v8, $0x7A18;
	v8 =	vsub.s32 v15, v0;
	[tilespmem:s30+$0xFFFFFFC0] =	vst v14;
	v14 =	vld [tilespmem:s30+$0xFFFFFFF0]  }
0xa9: {  	v22 =	vmin.u32 v8, $0x7A18;
	v8 =	vsub.s32 v19, v0;
	v15 =	vld.idx.msk [tilespmem:v20+s19+$0x0], $0xffff;
	[tilespmem:s2+$0xFFFFFFC0] =	vst v4;
	v4 =	vmov v16  }
0xaa: {  	v12 =	vsub.s32 v12, v0;
	v19 =	vld.idx.msk [tilespmem:v7+s19+$0x0], $0xffff;
	v23 =	vmin.u32 v8, $0x7A18  }
0xab: {  	s30 =	sadd.s32 $0x80, s30;
	v8 =	vmin.u32 v12, $0x7A18;
	v18 =	vld.idx.msk [tilespmem:v18+s19+$0x0], $0xffff;
	v9 =	vadd.f32 v13, v9  }
0xac: {  	v24 =	vld [tilespmem:s30+$0x0];
	v10 =	vadd.f32 v17, v10  }
0xad: {  	v25 =	vld.idx.msk [tilespmem:v16+s19+$0x0], $0xffff;
	[tilespmem:s3+$0xFFFFFFD0] =	vst v9;
	v9 =	vadd.f32 v14, v11  }
0xae: {  	v26 =	vld.idx.msk [tilespmem:v21+s19+$0x0], $0xffff;
	[tilespmem:s2+$0xFFFFFFD0] =	vst v2;
	v2 =	vmov v21  }
0xaf: {  	v14 =	vmul.f32 $9.900000090e-01, v15;
	v21 =	vld.idx.msk [tilespmem:v22+s19+$0x0], $0xffff;
	[tilespmem:s3+$0xFFFFFFE0] =	vst v10  }
0xb0: {  	v12 =	vmul.f32 $9.900000090e-01, v19;
	v15 =	vld.idx.msk [tilespmem:v8+s19+$0x0], $0xffff;
	[tilespmem:s2+$0xFFFFFFE0] =	vst v3;
	v3 =	vmov v22  }
.Ltmp1:
0xb1: {  	v13 =	vmul.f32 $9.900000090e-01, v18;
	v11 =	vld.idx.msk [tilespmem:v23+s19+$0x0], $0xffff;
	v10 =	vadd.f32 v24, v14;
	[tilespmem:s3+$0xFFFFFFF0] =	vst v9;
	s3 =	smov.u32 s30;
	(pc) =	sbr.rel @p0 .LBB2_4-.Ltmp1, $4  }
0xb2: {  	v16 =	vld [tilespmem:s30+$0xFFFFFF90];
	[tilespmem:s2+$0xFFFFFFF0] =	vst v6;
	v6 =	vmov v23  }
0xb3: {  	v14 =	vmul.f32 $9.900000090e-01, v25;
	s2 =	sadd.s32 $0x80, s2;
	v17 =	vld [tilespmem:s30+$0xFFFFFFA0];
	[tilespmem:s30+$0x0] =	vst v10  }
0xb4: {  	v9 =	vmul.f32 $9.900000090e-01, v26;
	v18 =	vld [tilespmem:s30+$0xFFFFFFB0];
	[tilespmem:s2+$0x0] =	vst v20  }
0xb5: {  	s1 =	sadd.s32 $0x80, s1;
	v10 =	vmul.f32 $9.900000090e-01, v21;
	v19 =	vld [tilespmem:s30+$0xFFFFFFC0]  }
0xb6: {  	v15 =	vmul.f32 $9.900000090e-01, v15;
	_ =	sdelay $0x1  }
0xb7: {  	v15 =	vadd.f32 v16, v15  }
0xb8: {  	v12 =	vadd.f32 v17, v12  }
0xb9: {  	[tilespmem:s30+$0xFFFFFF90] =	vst v15  }
0xba: {  	[tilespmem:s30+$0xFFFFFFA0] =	vst v12  }
0xbb: {  	[tilespmem:s2+$0xFFFFFF90] =	vst v8;
	v8 =	vld [tilespmem:s30+$0xFFFFFFD0]  }
0xbc: {  	v13 =	vadd.f32 v18, v13;
	[tilespmem:s2+$0xFFFFFFA0] =	vst v7;
	v7 =	vld [tilespmem:s30+$0xFFFFFFE0];
	_ =	sdelay $0x1  }
0xbd: {  	v12 =	vadd.f32 v19, v14;
	[tilespmem:s30+$0xFFFFFFB0] =	vst v13  }
0xbe: {  	[tilespmem:s2+$0xFFFFFFB0] =	vst v5;
	v5 =	vld [tilespmem:s30+$0xFFFFFFF0]  }
0xbf: {  	[tilespmem:s30+$0xFFFFFFC0] =	vst v12;
	v8 =	vadd.f32 v8, v9  }
0xc0: {  	[tilespmem:s2+$0xFFFFFFC0] =	vst v4;
	v7 =	vadd.f32 v7, v10  }
0xc1: {  	v4 =	vmul.f32 $9.900000090e-01, v11;
	[tilespmem:s3+$0xFFFFFFD0] =	vst v8  }
0xc2: {  	[tilespmem:s3+$0xFFFFFFE0] =	vst v7  }
0xc3: {  	[tilespmem:s2+$0xFFFFFFD0] =	vst v2;
	v2 =	vadd.f32 v5, v4  }
0xc4: {  	[tilespmem:s2+$0xFFFFFFE0] =	vst v3  }
0xc5: {  	[tilespmem:s3+$0xFFFFFFF0] =	vst v2  }
0xc6: {  	[tilespmem:s2+$0xFFFFFFF0] =	vst v6  }
0xc7: {  	_ =	swait.ge [sflag:s22], $0x1000  }
0xc8: {  	[sflag:s22] =	ssyncset.done $0x0  }
0xc9: {  	[sflag:s22] =	ssyncadd.s32 $0xFFFFF000  }
0xca: {  	_ =	swait.ge [sflag:s22], $0x1000  }
0xcb: {  	[sflag:s22] =	ssyncset.done $0x0  }
0xcc: {  	s1 =	simm.s32 $0x2070;
	[sflag:s22] =	ssyncadd.s32 $0xFFFFF000  }
0xcd: {  	v2 =	vld [tilespmem:s1+$0x0]  }
0xce: {  	v3 =	vld [tilespmem:s1+$0xFFFFFFA0]  }
0xcf: {  	v4 =	vld [tilespmem:s1+$0xFFFFFFB0]  }
0xd0: {  	v6 =	vld [tilespmem:s1+$0xFFFFFFC0]  }
0xd1: {  	v8 =	vld [tilespmem:s1+$0xFFFFFFD0]  }
0xd2: {  	v9 =	vld [tilespmem:s1+$0xFFFFFFE0]  }
0xd3: {  	v11 =	vld [tilespmem:s1+$0xFFFFFF90]  }
0xd4: {  	v12 =	vld [tilespmem:s1+$0xFFFFFFF0];
	v2 =	vsub.s32 v2, v0  }
0xd5: {  	v3 =	vsub.s32 v3, v0;
	v10 =	vmin.u32 v2, $0x7A18  }
0xd6: {  	v7 =	vmin.u32 v3, $0x7A18;
	v2 =	vsub.s32 v4, v0  }
0xd7: {  	s30 =	simm.s32 $0x6070;
	v3 =	vsub.s32 v9, v0;
	v5 =	vmin.u32 v2, $0x7A18  }
0xd8: {  	v16 =	vld [tilespmem:s30+$0xFFFFFF90];
	v2 =	vsub.s32 v6, v0;
	v3 =	vmin.u32 v3, $0x7A18;
	v6 =	vsub.s32 v11, v0  }
0xd9: {  	v11 =	vsub.s32 v12, v0;
	v12 =	vld [tilespmem:s30+$0x0];
	v4 =	vmin.u32 v2, $0x7A18;
	v2 =	vsub.s32 v8, v0  }
0xda: {  	v2 =	vmin.u32 v2, $0x7A18;
	v9 =	vld.idx.msk [tilespmem:v10+s19+$0x0], $0xffff  }
0xdb: {  	v8 =	vmin.u32 v6, $0x7A18;
	v13 =	vld.idx.msk [tilespmem:v7+s19+$0x0], $0xffff  }
0xdc: {  	v6 =	vmin.u32 v11, $0x7A18;
	v14 =	vld.idx.msk [tilespmem:v5+s19+$0x0], $0xffff  }
0xdd: {  	v20 =	vld.idx.msk [tilespmem:v3+s19+$0x0], $0xffff  }
0xde: {  	v18 =	vld.idx.msk [tilespmem:v4+s19+$0x0], $0xffff  }
0xdf: {  	v19 =	vld.idx.msk [tilespmem:v2+s19+$0x0], $0xffff;
	v9 =	vmul.f32 $9.900000090e-01, v9  }
0xe0: {  	v15 =	vld.idx.msk [tilespmem:v8+s19+$0x0], $0xffff  }
0xe1: {  	v11 =	vld.idx.msk [tilespmem:v6+s19+$0x0], $0xffff;
	v9 =	vadd.f32 v12, v9  }
0xe2: {  	v17 =	vld [tilespmem:s30+$0xFFFFFFA0];
	v12 =	vmul.f32 $9.900000090e-01, v13  }
0xe3: {  	s2 =	simm.s32 $0xA070;
	v13 =	vmul.f32 $9.900000090e-01, v14;
	v14 =	vmul.f32 $9.900000090e-01, v18;
	v18 =	vld [tilespmem:s30+$0xFFFFFFB0];
	[tilespmem:s30+$0x0] =	vst v9  }
0xe4: {  	s25 =	simm.s32 $0x200;
	s3 =	simm.s32 $0x6070;
	s1 =	simm.s32 $0x20F0;
	v9 =	vmul.f32 $9.900000090e-01, v19;
	v19 =	vld [tilespmem:s30+$0xFFFFFFC0];
	[tilespmem:s2+$0x0] =	vst v10;
	v10 =	vmul.f32 $9.900000090e-01, v20  }
.LBB2_6:
0xe5: {  	v20 =	vld [tilespmem:s1+$0x0];
	v15 =	vmul.f32 $9.900000090e-01, v15  }
0xe6: {  	s25 =	sadd.s32 $0x8, s25;
	v11 =	vmul.f32 $9.900000090e-01, v11;
	v21 =	vld [tilespmem:s1+$0xFFFFFFA0]  }
0xe7: {  	p0 =	slt.u32 s25, $0x2F8;
	v22 =	vld [tilespmem:s1+$0xFFFFFFB0];
	v15 =	vadd.f32 v16, v15;
	v12 =	vadd.f32 v17, v12  }
0xe8: {  	v16 =	vld [tilespmem:s1+$0xFFFFFFC0];
	v13 =	vadd.f32 v18, v13  }
0xe9: {  	v17 =	vld [tilespmem:s1+$0xFFFFFFD0];
	[tilespmem:s30+$0xFFFFFF90] =	vst v15;
	v14 =	vadd.f32 v19, v14  }
0xea: {  	v15 =	vld [tilespmem:s1+$0xFFFFFFE0];
	v18 =	vsub.s32 v20, v0;
	[tilespmem:s2+$0xFFFFFF90] =	vst v8  }
0xeb: {  	v8 =	vsub.s32 v21, v0;
	v19 =	vld [tilespmem:s1+$0xFFFFFFF0];
	v20 =	vmin.u32 v18, $0x7A18;
	[tilespmem:s30+$0xFFFFFFA0] =	vst v12  }
0xec: {  	v12 =	vld [tilespmem:s1+$0xFFFFFF90];
	v18 =	vsub.s32 v22, v0;
	[tilespmem:s2+$0xFFFFFFA0] =	vst v7;
	v7 =	vmin.u32 v8, $0x7A18  }
0xed: {  	v18 =	vmin.u32 v18, $0x7A18;
	v8 =	vsub.s32 v16, v0;
	[tilespmem:s30+$0xFFFFFFB0] =	vst v13;
	v13 =	vld [tilespmem:s30+$0xFFFFFFD0]  }
0xee: {  	v16 =	vmin.u32 v8, $0x7A18;
	v8 =	vsub.s32 v17, v0;
	[tilespmem:s2+$0xFFFFFFB0] =	vst v5;
	v17 =	vld [tilespmem:s30+$0xFFFFFFE0];
	v5 =	vmov v18  }
0xef: {  	v21 =	vmin.u32 v8, $0x7A18;
	v8 =	vsub.s32 v15, v0;
	[tilespmem:s30+$0xFFFFFFC0] =	vst v14;
	v14 =	vld [tilespmem:s30+$0xFFFFFFF0]  }
0xf0: {  	v22 =	vmin.u32 v8, $0x7A18;
	v8 =	vsub.s32 v19, v0;
	v15 =	vld.idx.msk [tilespmem:v20+s19+$0x0], $0xffff;
	[tilespmem:s2+$0xFFFFFFC0] =	vst v4;
	v4 =	vmov v16  }
0xf1: {  	v12 =	vsub.s32 v12, v0;
	v19 =	vld.idx.msk [tilespmem:v7+s19+$0x0], $0xffff;
	v23 =	vmin.u32 v8, $0x7A18  }
0xf2: {  	s30 =	sadd.s32 $0x80, s30;
	v8 =	vmin.u32 v12, $0x7A18;
	v18 =	vld.idx.msk [tilespmem:v18+s19+$0x0], $0xffff;
	v9 =	vadd.f32 v13, v9  }
0xf3: {  	v24 =	vld [tilespmem:s30+$0x0];
	v10 =	vadd.f32 v17, v10  }
0xf4: {  	v25 =	vld.idx.msk [tilespmem:v16+s19+$0x0], $0xffff;
	[tilespmem:s3+$0xFFFFFFD0] =	vst v9;
	v9 =	vadd.f32 v14, v11  }
0xf5: {  	v26 =	vld.idx.msk [tilespmem:v21+s19+$0x0], $0xffff;
	[tilespmem:s2+$0xFFFFFFD0] =	vst v2;
	v2 =	vmov v21  }
0xf6: {  	v14 =	vmul.f32 $9.900000090e-01, v15;
	v21 =	vld.idx.msk [tilespmem:v22+s19+$0x0], $0xffff;
	[tilespmem:s3+$0xFFFFFFE0] =	vst v10  }
0xf7: {  	v12 =	vmul.f32 $9.900000090e-01, v19;
	v15 =	vld.idx.msk [tilespmem:v8+s19+$0x0], $0xffff;
	[tilespmem:s2+$0xFFFFFFE0] =	vst v3;
	v3 =	vmov v22  }
.Ltmp2:
0xf8: {  	v13 =	vmul.f32 $9.900000090e-01, v18;
	v11 =	vld.idx.msk [tilespmem:v23+s19+$0x0], $0xffff;
	v10 =	vadd.f32 v24, v14;
	[tilespmem:s3+$0xFFFFFFF0] =	vst v9;
	s3 =	smov.u32 s30;
	(pc) =	sbr.rel @p0 .LBB2_6-.Ltmp2, $4  }
0xf9: {  	v16 =	vld [tilespmem:s30+$0xFFFFFF90];
	[tilespmem:s2+$0xFFFFFFF0] =	vst v6;
	v6 =	vmov v23  }
0xfa: {  	v14 =	vmul.f32 $9.900000090e-01, v25;
	s2 =	sadd.s32 $0x80, s2;
	v17 =	vld [tilespmem:s30+$0xFFFFFFA0];
	[tilespmem:s30+$0x0] =	vst v10  }
0xfb: {  	v9 =	vmul.f32 $9.900000090e-01, v26;
	v18 =	vld [tilespmem:s30+$0xFFFFFFB0];
	[tilespmem:s2+$0x0] =	vst v20  }
0xfc: {  	s1 =	sadd.s32 $0x80, s1;
	v10 =	vmul.f32 $9.900000090e-01, v21;
	v19 =	vld [tilespmem:s30+$0xFFFFFFC0]  }
0xfd: {  	v15 =	vmul.f32 $9.900000090e-01, v15;
	_ =	sdelay $0x1  }
0xfe: {  	v15 =	vadd.f32 v16, v15  }
0xff: {  	v12 =	vadd.f32 v17, v12  }
0x100: {  	[tilespmem:s30+$0xFFFFFF90] =	vst v15  }
0x101: {  	[tilespmem:s30+$0xFFFFFFA0] =	vst v12  }
0x102: {  	[tilespmem:s2+$0xFFFFFF90] =	vst v8;
	v8 =	vld [tilespmem:s30+$0xFFFFFFD0]  }
0x103: {  	v13 =	vadd.f32 v18, v13;
	[tilespmem:s2+$0xFFFFFFA0] =	vst v7;
	v7 =	vld [tilespmem:s30+$0xFFFFFFE0];
	_ =	sdelay $0x1  }
0x104: {  	v12 =	vadd.f32 v19, v14;
	[tilespmem:s30+$0xFFFFFFB0] =	vst v13  }
0x105: {  	[tilespmem:s2+$0xFFFFFFB0] =	vst v5;
	v5 =	vld [tilespmem:s30+$0xFFFFFFF0]  }
0x106: {  	[tilespmem:s30+$0xFFFFFFC0] =	vst v12;
	v8 =	vadd.f32 v8, v9  }
0x107: {  	[tilespmem:s2+$0xFFFFFFC0] =	vst v4;
	v7 =	vadd.f32 v7, v10  }
0x108: {  	v4 =	vmul.f32 $9.900000090e-01, v11;
	[tilespmem:s3+$0xFFFFFFD0] =	vst v8  }
0x109: {  	[tilespmem:s3+$0xFFFFFFE0] =	vst v7  }
0x10a: {  	[tilespmem:s2+$0xFFFFFFD0] =	vst v2;
	v2 =	vadd.f32 v5, v4  }
0x10b: {  	[tilespmem:s2+$0xFFFFFFE0] =	vst v3  }
0x10c: {  	[tilespmem:s3+$0xFFFFFFF0] =	vst v2  }
0x10d: {  	[tilespmem:s2+$0xFFFFFFF0] =	vst v6  }
0x10e: {  	_ =	swait.ge [sflag:s23], $0x1000  }
0x10f: {  	[sflag:s23] =	ssyncset.done $0x0  }
0x110: {  	[sflag:s23] =	ssyncadd.s32 $0xFFFFF000  }
0x111: {  	_ =	swait.ge [sflag:s23], $0x1000  }
0x112: {  	[sflag:s23] =	ssyncset.done $0x0  }
0x113: {  	s1 =	simm.s32 $0x3070;
	[sflag:s23] =	ssyncadd.s32 $0xFFFFF000  }
0x114: {  	v2 =	vld [tilespmem:s1+$0x0]  }
0x115: {  	v3 =	vld [tilespmem:s1+$0xFFFFFFA0]  }
0x116: {  	v4 =	vld [tilespmem:s1+$0xFFFFFFB0]  }
0x117: {  	v6 =	vld [tilespmem:s1+$0xFFFFFFC0]  }
0x118: {  	v8 =	vld [tilespmem:s1+$0xFFFFFFD0]  }
0x119: {  	v9 =	vld [tilespmem:s1+$0xFFFFFFE0]  }
0x11a: {  	v11 =	vld [tilespmem:s1+$0xFFFFFF90]  }
0x11b: {  	v12 =	vld [tilespmem:s1+$0xFFFFFFF0];
	v2 =	vsub.s32 v2, v0  }
0x11c: {  	v3 =	vsub.s32 v3, v0;
	v10 =	vmin.u32 v2, $0x7A18  }
0x11d: {  	v7 =	vmin.u32 v3, $0x7A18;
	v2 =	vsub.s32 v4, v0  }
0x11e: {  	s30 =	simm.s32 $0x7070;
	v3 =	vsub.s32 v9, v0;
	v5 =	vmin.u32 v2, $0x7A18  }
0x11f: {  	v16 =	vld [tilespmem:s30+$0xFFFFFF90];
	v2 =	vsub.s32 v6, v0;
	v3 =	vmin.u32 v3, $0x7A18;
	v6 =	vsub.s32 v11, v0  }
0x120: {  	v11 =	vsub.s32 v12, v0;
	v12 =	vld [tilespmem:s30+$0x0];
	v4 =	vmin.u32 v2, $0x7A18;
	v2 =	vsub.s32 v8, v0  }
0x121: {  	v2 =	vmin.u32 v2, $0x7A18;
	v9 =	vld.idx.msk [tilespmem:v10+s19+$0x0], $0xffff  }
0x122: {  	v8 =	vmin.u32 v6, $0x7A18;
	v13 =	vld.idx.msk [tilespmem:v7+s19+$0x0], $0xffff  }
0x123: {  	v6 =	vmin.u32 v11, $0x7A18;
	v14 =	vld.idx.msk [tilespmem:v5+s19+$0x0], $0xffff  }
0x124: {  	v20 =	vld.idx.msk [tilespmem:v3+s19+$0x0], $0xffff  }
0x125: {  	v18 =	vld.idx.msk [tilespmem:v4+s19+$0x0], $0xffff  }
0x126: {  	v19 =	vld.idx.msk [tilespmem:v2+s19+$0x0], $0xffff;
	v9 =	vmul.f32 $9.900000090e-01, v9  }
0x127: {  	v15 =	vld.idx.msk [tilespmem:v8+s19+$0x0], $0xffff  }
0x128: {  	v11 =	vld.idx.msk [tilespmem:v6+s19+$0x0], $0xffff;
	v9 =	vadd.f32 v12, v9  }
0x129: {  	v17 =	vld [tilespmem:s30+$0xFFFFFFA0];
	v12 =	vmul.f32 $9.900000090e-01, v13  }
0x12a: {  	s2 =	simm.s32 $0xB070;
	v13 =	vmul.f32 $9.900000090e-01, v14;
	v14 =	vmul.f32 $9.900000090e-01, v18;
	v18 =	vld [tilespmem:s30+$0xFFFFFFB0];
	[tilespmem:s30+$0x0] =	vst v9  }
0x12b: {  	s25 =	simm.s32 $0x300;
	s3 =	simm.s32 $0x7070;
	s1 =	simm.s32 $0x30F0;
	v9 =	vmul.f32 $9.900000090e-01, v19;
	v19 =	vld [tilespmem:s30+$0xFFFFFFC0];
	[tilespmem:s2+$0x0] =	vst v10;
	v10 =	vmul.f32 $9.900000090e-01, v20  }
.LBB2_8:
0x12c: {  	v20 =	vld [tilespmem:s1+$0x0];
	v15 =	vmul.f32 $9.900000090e-01, v15  }
0x12d: {  	s25 =	sadd.s32 $0x8, s25;
	v11 =	vmul.f32 $9.900000090e-01, v11;
	v21 =	vld [tilespmem:s1+$0xFFFFFFA0]  }
0x12e: {  	p0 =	slt.u32 s25, $0x3F8;
	v22 =	vld [tilespmem:s1+$0xFFFFFFB0];
	v15 =	vadd.f32 v16, v15;
	v12 =	vadd.f32 v17, v12  }
0x12f: {  	v16 =	vld [tilespmem:s1+$0xFFFFFFC0];
	v13 =	vadd.f32 v18, v13  }
0x130: {  	v17 =	vld [tilespmem:s1+$0xFFFFFFD0];
	[tilespmem:s30+$0xFFFFFF90] =	vst v15;
	v14 =	vadd.f32 v19, v14  }
0x131: {  	v15 =	vld [tilespmem:s1+$0xFFFFFFE0];
	v18 =	vsub.s32 v20, v0;
	[tilespmem:s2+$0xFFFFFF90] =	vst v8  }
0x132: {  	v8 =	vsub.s32 v21, v0;
	v19 =	vld [tilespmem:s1+$0xFFFFFFF0];
	v20 =	vmin.u32 v18, $0x7A18;
	[tilespmem:s30+$0xFFFFFFA0] =	vst v12  }
0x133: {  	v12 =	vld [tilespmem:s1+$0xFFFFFF90];
	v18 =	vsub.s32 v22, v0;
	[tilespmem:s2+$0xFFFFFFA0] =	vst v7;
	v7 =	vmin.u32 v8, $0x7A18  }
0x134: {  	v18 =	vmin.u32 v18, $0x7A18;
	v8 =	vsub.s32 v16, v0;
	[tilespmem:s30+$0xFFFFFFB0] =	vst v13;
	v13 =	vld [tilespmem:s30+$0xFFFFFFD0]  }
0x135: {  	v16 =	vmin.u32 v8, $0x7A18;
	v8 =	vsub.s32 v17, v0;
	[tilespmem:s2+$0xFFFFFFB0] =	vst v5;
	v17 =	vld [tilespmem:s30+$0xFFFFFFE0];
	v5 =	vmov v18  }
0x136: {  	v21 =	vmin.u32 v8, $0x7A18;
	v8 =	vsub.s32 v15, v0;
	[tilespmem:s30+$0xFFFFFFC0] =	vst v14;
	v14 =	vld [tilespmem:s30+$0xFFFFFFF0]  }
0x137: {  	v22 =	vmin.u32 v8, $0x7A18;
	v8 =	vsub.s32 v19, v0;
	v15 =	vld.idx.msk [tilespmem:v20+s19+$0x0], $0xffff;
	[tilespmem:s2+$0xFFFFFFC0] =	vst v4;
	v4 =	vmov v16  }
0x138: {  	v12 =	vsub.s32 v12, v0;
	v19 =	vld.idx.msk [tilespmem:v7+s19+$0x0], $0xffff;
	v23 =	vmin.u32 v8, $0x7A18  }
0x139: {  	s30 =	sadd.s32 $0x80, s30;
	v8 =	vmin.u32 v12, $0x7A18;
	v18 =	vld.idx.msk [tilespmem:v18+s19+$0x0], $0xffff;
	v9 =	vadd.f32 v13, v9  }
0x13a: {  	v24 =	vld [tilespmem:s30+$0x0];
	v10 =	vadd.f32 v17, v10  }
0x13b: {  	v25 =	vld.idx.msk [tilespmem:v16+s19+$0x0], $0xffff;
	[tilespmem:s3+$0xFFFFFFD0] =	vst v9;
	v9 =	vadd.f32 v14, v11  }
0x13c: {  	v26 =	vld.idx.msk [tilespmem:v21+s19+$0x0], $0xffff;
	[tilespmem:s2+$0xFFFFFFD0] =	vst v2;
	v2 =	vmov v21  }
0x13d: {  	v14 =	vmul.f32 $9.900000090e-01, v15;
	v21 =	vld.idx.msk [tilespmem:v22+s19+$0x0], $0xffff;
	[tilespmem:s3+$0xFFFFFFE0] =	vst v10  }
0x13e: {  	v12 =	vmul.f32 $9.900000090e-01, v19;
	v15 =	vld.idx.msk [tilespmem:v8+s19+$0x0], $0xffff;
	[tilespmem:s2+$0xFFFFFFE0] =	vst v3;
	v3 =	vmov v22  }
.Ltmp3:
0x13f: {  	v13 =	vmul.f32 $9.900000090e-01, v18;
	v11 =	vld.idx.msk [tilespmem:v23+s19+$0x0], $0xffff;
	v10 =	vadd.f32 v24, v14;
	[tilespmem:s3+$0xFFFFFFF0] =	vst v9;
	s3 =	smov.u32 s30;
	(pc) =	sbr.rel @p0 .LBB2_8-.Ltmp3, $4  }
0x140: {  	v16 =	vld [tilespmem:s30+$0xFFFFFF90];
	[tilespmem:s2+$0xFFFFFFF0] =	vst v6;
	v6 =	vmov v23  }
0x141: {  	v14 =	vmul.f32 $9.900000090e-01, v25;
	s2 =	sadd.s32 $0x80, s2;
	v17 =	vld [tilespmem:s30+$0xFFFFFFA0];
	[tilespmem:s30+$0x0] =	vst v10  }
0x142: {  	s5 =	simm.s32 $0x0;
	v9 =	vmul.f32 $9.900000090e-01, v26;
	v18 =	vld [tilespmem:s30+$0xFFFFFFB0];
	[tilespmem:s2+$0x0] =	vst v20  }
0x143: {  	s1 =	sadd.s32 $0x80, s1;
	v10 =	vmul.f32 $9.900000090e-01, v21;
	v19 =	vld [tilespmem:s30+$0xFFFFFFC0]  }
0x144: {  	v15 =	vmul.f32 $9.900000090e-01, v15;
	_ =	sdelay $0x1  }
0x145: {  	v15 =	vadd.f32 v16, v15  }
0x146: {  	v12 =	vadd.f32 v17, v12  }
0x147: {  	[tilespmem:s30+$0xFFFFFF90] =	vst v15  }
0x148: {  	v59 =	vld [tilespmem:s30+$0xFFFFFFD0];
	[tilespmem:s30+$0xFFFFFFA0] =	vst v12  }
0x149: {  	v60 =	vld [tilespmem:s30+$0xFFFFFFE0];
	v13 =	vadd.f32 v18, v13;
	[tilespmem:s2+$0xFFFFFF90] =	vst v8  }
0x14a: {  	[tilespmem:s2+$0xFFFFFFA0] =	vst v7  }
0x14b: {  	v61 =	vadd.f32 v19, v14;
	[tilespmem:s30+$0xFFFFFFB0] =	vst v13  }
0x14c: {  	v62 =	vld [tilespmem:s30+$0xFFFFFFF0];
	[tilespmem:s2+$0xFFFFFFB0] =	vst v5  }
0x14d: {  	v8 =	vadd.f32 v59, v9;
	[tilespmem:s30+$0xFFFFFFC0] =	vst v61  }
0x14e: {  	v7 =	vadd.f32 v60, v10;
	[tilespmem:s2+$0xFFFFFFC0] =	vst v4  }
0x14f: {  	v63 =	vmul.f32 $9.900000090e-01, v11;
	[tilespmem:s3+$0xFFFFFFD0] =	vst v8  }
0x150: {  	[tilespmem:s3+$0xFFFFFFE0] =	vst v7  }
0x151: {  	[tilespmem:s2+$0xFFFFFFD0] =	vst v2;
	v2 =	vadd.f32 v62, v63  }
0x152: {  	[tilespmem:s2+$0xFFFFFFE0] =	vst v3  }
0x153: {  	[tilespmem:s3+$0xFFFFFFF0] =	vst v2  }
0x154: {  	[tilespmem:s2+$0xFFFFFFF0] =	vst v6  }
.LBB2_10:
0x155: {  	s1 =	sshra.s32 s5, $0x2  }
0x156: {  	v2 =	vld [tilespmem:s1+$0x8000];
	_ =	sdelay $0x2  }
0x157: {  	v3 =	vld [tilespmem:s1+$0x4000];
	_ =	sdelay $0x4  }
0x158: {  	[tilespmem:v2+s19+$0x0] =	vst.idx.msk $0xffff, v3  }
0x159: {  	v2 =	vld [tilespmem:s1+$0x8010];
	_ =	sdelay $0x2  }
0x15a: {  	v3 =	vld [tilespmem:s1+$0x4010];
	_ =	sdelay $0x4  }
0x15b: {  	[tilespmem:v2+s19+$0x0] =	vst.idx.msk $0xffff, v3  }
0x15c: {  	v2 =	vld [tilespmem:s1+$0x8020];
	_ =	sdelay $0x2  }
0x15d: {  	v3 =	vld [tilespmem:s1+$0x4020];
	_ =	sdelay $0x4  }
0x15e: {  	[tilespmem:v2+s19+$0x0] =	vst.idx.msk $0xffff, v3  }
0x15f: {  	v2 =	vld [tilespmem:s1+$0x8030];
	_ =	sdelay $0x2  }
0x160: {  	v3 =	vld [tilespmem:s1+$0x4030];
	_ =	sdelay $0x4  }
0x161: {  	[tilespmem:v2+s19+$0x0] =	vst.idx.msk $0xffff, v3  }
0x162: {  	v2 =	vld [tilespmem:s1+$0x8040];
	_ =	sdelay $0x2  }
0x163: {  	v3 =	vld [tilespmem:s1+$0x4040];
	_ =	sdelay $0x4  }
0x164: {  	[tilespmem:v2+s19+$0x0] =	vst.idx.msk $0xffff, v3  }
0x165: {  	v2 =	vld [tilespmem:s1+$0x8050];
	_ =	sdelay $0x2  }
0x166: {  	v3 =	vld [tilespmem:s1+$0x4050];
	_ =	sdelay $0x4  }
0x167: {  	[tilespmem:v2+s19+$0x0] =	vst.idx.msk $0xffff, v3  }
0x168: {  	v2 =	vld [tilespmem:s1+$0x8060];
	_ =	sdelay $0x2  }
0x169: {  	v3 =	vld [tilespmem:s1+$0x4060];
	_ =	sdelay $0x4  }
0x16a: {  	[tilespmem:v2+s19+$0x0] =	vst.idx.msk $0xffff, v3  }
0x16b: {  	v2 =	vld [tilespmem:s1+$0x8070];
	_ =	sdelay $0x2  }
0x16c: {  	p0 =	sne.s32 s5, $0xFE00;
	v3 =	vld [tilespmem:s1+$0x4070]  }
.Ltmp4:
0x16d: {  	_ = 	snop;
	(pc) =	sbr.rel @p0 .LBB2_10-.Ltmp4, $2  }
0x16e: {  	_ =	sdelay $0x2  }
0x16f: {  	s5 =	sadd.s32 $0x200, s5;
	[tilespmem:v2+s19+$0x0] =	vst.idx.msk $0xffff, v3  }
0x170: {  	s1 =	simm.s32 $0x0  }
0x171: {  	[hbm4b:s16+s1] =	stream.linear.scatter [tilespmem:s19], [sflag:$0x1], $0x7A18, $0x38;
	[tilespmem:$0x14300] =	vst v63  }
0x172: {  	_ =	swait.ge [sflag:s24], $0x200  }
0x173: {  	[sflag:s24] =	ssyncset.done $0x0  }
0x174: {  	s5 =	simm.s32 $0x0;
	[sflag:s24] =	ssyncadd.s32 $0xFFFFFE00  }
0x175: {  	v2 =	vld [tilespmem:s5+$0xC200];
	_ =	sdelay $0x4  }
0x176: {  	v2 =	vmul.f32 v2, v1  }
0x177: {  	s2 =	simm.s32 $0x10  }
0x178: {  	(erf) = vrcp.f32 v2;
	v2 =	vld [tilespmem:s2+$0xC200];
	_ =	sdelay $0x3  }
0x179: {  	s1 =	simm.s32 $0x20  }
0x17a: {  	v5 =	vld [tilespmem:s1+$0xC200];
	v3 =	vmul.f32 v2, v1  }
0x17b: {  	v2 =	vld [tilespmem:s5+$0xC400]  }
0x17c: {  	(erf) = vrcp.f32 v3;
	_ =	sdelay $0x2  }
0x17d: {  	v4 =	vimm.f32 $0.0e+00;
	s3 =	simm.s32 $0xC0;
	v3 =	vld [tilespmem:s5+$0xC600];
	v6 =	vpop (erf)  }
.LBB2_12:
0x17e: {  	s5 =	sshra.s32 s3, $0x2;
	p0 =	sne.s32 s3, $0x7C0;
	s3 =	sadd.s32 $0x40, s3;
	v7 =	vmul.f32 v5, v1;
	v6 =	vmul.f32 v6, v2;
	v2 =	vld [tilespmem:s2+$0xC400]  }
.Ltmp5:
0x17f: {  	v5 =	vld [tilespmem:s5+$0xC200];
	(pc) =	sbr.rel @p0 .LBB2_12-.Ltmp5, $3  }
0x180: {  	(erf) = vrcp.f32 v7;
	v4 =	vadd.f32 v6, v4;
	_ =	sdelay $0x1  }
0x181: {  	v4 =	vadd.f32 v4, v3  }
0x182: {  	v3 =	vld [tilespmem:s2+$0xC600];
	v6 =	vpop (erf);
	s2 =	smov.u32 s1;
	s1 =	smov.u32 s5  }
0x183: {  	v5 =	vmul.f32 v5, v1;
	_ =	sdelay $0x1  }
0x184: {  	(erf) = vrcp.f32 v5  }
0x185: {  	v59 =	vld [tilespmem:s2+$0xC400]  }
0x186: {  	v2 =	vmul.f32 v6, v2;
	_ =	sdelay $0x1  }
0x187: {  	v60 =	vld [tilespmem:s2+$0xC600];
	v2 =	vadd.f32 v2, v4  }
0x188: {  	v7 =	vld [tilespmem:s1+$0xC400];
	v61 =	vpop (erf)  }
0x189: {  	v2 =	vadd.f32 v2, v3;
	v3 =	vmul.f32 v61, v59;
	_ =	sdelay $0x1  }
0x18a: {  	v2 =	vadd.f32 v3, v2  }
0x18b: {  	v3 =	vld [tilespmem:s1+$0xC600];
	v62 =	vpop (erf)  }
0x18c: {  	v2 =	vadd.f32 v2, v60;
	v63 =	vmul.f32 v62, v7;
	_ =	sdelay $0x1  }
0x18d: {  	v2 =	vadd.f32 v63, v2;
	_ =	sdelay $0x1  }
0x18e: {  	v2 =	vadd.f32 v2, v3;
	_ =	sdelay $0x1  }
0x18f: {  	s30 =	simm.s32 $0x14280;
	s29 =	sadd.s32 $0x1, s29;
	[tilespmem:$0x14280] =	vst v2  }
0x190: {  	[hbm4b:s17+s4] =	stream.linear.scatter [tilespmem:s30], [sflag:$0x8], $0x80, $0x38;
	[tilespmem:$0x14300] =	vst v63  }
0x191: {  	p0 =	sne.s32 s29, s18;
	_ =	swait.ge [sflag:s26], $0x80  }
.Ltmp6:
0x192: {  	[sflag:s26] =	ssyncset.done $0x0;
	(pc) =	sbr.rel @p0 .LBB2_1-.Ltmp6, $4  }
0x193: {  	[sflag:s26] =	ssyncadd.s32 $0xFFFFFF80  }
0x194: {  	_ =	swait.ge [sflag:s0], $0x7A18  }
0x195: {  	[sflag:s0] =	ssyncset.done $0x0  }
0x196: {  	[sflag:s0] =	ssyncadd.s32 $0xFFFF85E8  }
0x197: {  	_ =	sfence.sel $0x180000  }
0x198: {  	[bflag:$0x0] =	sbarrier.arrive $0xFFFF  }
0x199: {  	_ =	strace $0x90000047  }
0x19a: {  	s0 =	stileid.u32;
	[bflag:$0x2] =	sbarrier.arrive $0xFFFF  }
0x19b: {  	p0 =	sne.s32 s0, $0x0;
	s0 =	rddreg [dreg:$0x4]  }
0x19c: {  	s0 =	sadd.s32 @!p0 $0x100000, s0  }
0x19d: {  	[sflag:s0] =	ssyncadd.tile.s32 @!p0 $0x1;
	_ =	shalt  }
.Lfunc_end2:
_tile_overlayer_lowered:
.L_overlay_start_2:
0x19e: {  	(tag) =	ssettag $0x2  }
0x19f: {  	s0 =	rddreg [dreg:$0x0];
	s2 =	stileid.u32  }
0x1a0: {  	s1 =	rddreg [dreg:$0x1];
	p0 =	sne.s32 s2, $0x0  }
0x1a1: {  	s3 =	rddreg [dreg:$0x2];
	[bflag:$0x3] =	sbarrier.arrive $0xFFFF;
	s2 =	simm.s32 @!p0 $0x1C08  }
0x1a2: {  	[timem:s3], [sflag:s2] =	dma.local @!p0 [hbm:s0], s1  }
0x1a3: {  	s0 =	simm.s32 @!p0 $0x8  }
0x1a4: {  	_ =	swait.ge @!p0 [sflag:s0], s1  }
0x1a5: {  	s1 =	ssub.s32 @!p0 $0x0, s1;
	[sflag:s0] =	ssyncset.done @!p0 $0x0  }
0x1a6: {  	[sflag:s0] =	ssyncadd.s32 @!p0 s1  }
0x1a7: {  	[bflag:$0x3] =	sbarrier.arrive $0xFFFF  }
0x1a8: {  	_ =	shalt  }

</sc_bundles>
